<compile_context>
chip_gen: v7x
topology: tpu7x:2x2x1
jax: 0.10.2.dev20260603
libtpu: 0.0.44.dev20260713+nightly
codegen_flags: <defaults>
</compile_context>

<pallas_src>
import jax
import jax.numpy as jnp
from jax import lax
from jax.experimental import pallas as pl
from jax.experimental.pallas import tpu as pltpu
from jax.experimental.pallas import tpu_sc as plsc

D_VOCAB = 100000
D_MODEL = 768
BATCH = 4
SEQ = 4096

NC = 2
NS = 16
NW = NC * NS

TOKENS_TOTAL = BATCH * SEQ
PER_W = TOKENS_TOTAL // NW
CHUNK = 32
CHUNKS = PER_W // CHUNK
NBUF = 5


W_PER_ROW = SEQ // PER_W


def _embed_sc(tokens, W_E):
    mesh = plsc.VectorSubcoreMesh(core_axis_name="c", subcore_axis_name="s")

    @pl.kernel(
        mesh=mesh,
        out_type=(
            jax.ShapeDtypeStruct((TOKENS_TOTAL, D_MODEL), jnp.float32),
            jax.ShapeDtypeStruct((BATCH, SEQ), jnp.int32),
        ),
        scratch_types=(
            [pltpu.VMEM((PER_W,), jnp.int32)]
            + [pltpu.VMEM((CHUNK, D_MODEL), jnp.float32)] * NBUF
            + [pltpu.SemaphoreType.DMA] * (2 * NBUF)
        ),
    )
    def k(tok_hbm, table_hbm, out_hbm, tok_out_hbm, idx_v, *bufs):
        rows = list(bufs[:NBUF])
        gsem = list(bufs[NBUF:2 * NBUF])
        ssem = list(bufs[2 * NBUF:])
        wid = lax.axis_index("s") * NC + lax.axis_index("c")
        base = wid * PER_W
        pltpu.sync_copy(
            tok_hbm.at[wid // W_PER_ROW, pl.ds((wid % W_PER_ROW) * PER_W, PER_W)],
            idx_v)
        pltpu.sync_copy(
            idx_v,
            tok_out_hbm.at[wid // W_PER_ROW,
                           pl.ds((wid % W_PER_ROW) * PER_W, PER_W)])
        LOOK = NBUF - 2
        gh, sh = [None] * NBUF, [None] * NBUF
        for b in range(LOOK):
            gh[b] = pltpu.async_copy(table_hbm.at[idx_v.at[pl.ds(b * CHUNK, CHUNK)]], rows[b], gsem[b])
        for j in range(CHUNKS):
            b = j % NBUF
            m = j + LOOK
            if m < CHUNKS:
                bm = m % NBUF
                if sh[bm] is not None:
                    sh[bm].wait()
                gh[bm] = pltpu.async_copy(
                    table_hbm.at[idx_v.at[pl.ds(m * CHUNK, CHUNK)]], rows[bm], gsem[bm])
            gh[b].wait()
            sh[b] = pltpu.async_copy(
                rows[b], out_hbm.at[pl.ds(base + j * CHUNK, CHUNK)], ssem[b])
        for b in range(NBUF):
            if sh[b] is not None:
                sh[b].wait()

    return k(tokens, W_E)


def kernel(tokens, W_E):
    emb, tok_out = _embed_sc(tokens, W_E)
    return (tok_out, emb.reshape(BATCH, SEQ, D_MODEL))

# --- scband reference (transcript-rebuilt; emitter-appended) ---
"""Pipeline reference for scband-embed-180388626507 (READ-ONLY COPY).

The authoritative reference and input builder live on the scoring server;
editing this copy changes nothing except your own understanding.
"""

import jax, jax.numpy as jnp
import numpy as np

D_VOCAB = 100000
D_MODEL = 768
BATCH = 4
SEQ = 4096


def setup_inputs(seed: int = 0) -> dict:
    key = jax.random.key(seed)
    k_tok, k_w = jax.random.split(key)
    tokens = jax.random.randint(k_tok, (BATCH, SEQ), 0, D_VOCAB, dtype=jnp.int64 if jax.config.jax_enable_x64 else jnp.int32)
    W_E = jax.random.normal(k_w, (D_VOCAB, D_MODEL), dtype=jnp.float32) * 0.02
    return {"tokens": tokens, "W_E": W_E}


def reference(tokens, W_E):
    # Faithful translation of Embed.forward: returns (tokens, W_E[tokens, :])
    embeddings = jnp.take(W_E, tokens, axis=0)
    return (tokens, embeddings)

if __name__ == "__main__":
    import jax
    _d = setup_inputs()
    print(jax.jit(kernel)(*tuple(_d.values())))

</pallas_src>

<mosaic_0001>
#map = affine_map<(d0, d1) -> (0, 0)>
module attributes {stable_mosaic.version = 14 : i64} {
  func.func @k(%arg0: i32, %arg1: i32, %arg2: memref<4x4096xi32, #tpu.memory_space<hbm>>, %arg3: memref<100000x768xf32, #tpu.memory_space<hbm>>, %arg4: memref<16384x768xf32, #tpu.memory_space<hbm>>, %arg5: memref<4x4096xi32, #tpu.memory_space<hbm>>, %arg6: memref<512xi32, #tpu.memory_space<vmem>>, %arg7: memref<32x768xf32, #tpu.memory_space<vmem>>, %arg8: memref<32x768xf32, #tpu.memory_space<vmem>>, %arg9: memref<32x768xf32, #tpu.memory_space<vmem>>, %arg10: memref<32x768xf32, #tpu.memory_space<vmem>>, %arg11: memref<32x768xf32, #tpu.memory_space<vmem>>, %arg12: memref<!tpu.dma_semaphore, #tpu.memory_space<semaphore_mem>>, %arg13: memref<!tpu.dma_semaphore, #tpu.memory_space<semaphore_mem>>, %arg14: memref<!tpu.dma_semaphore, #tpu.memory_space<semaphore_mem>>, %arg15: memref<!tpu.dma_semaphore, #tpu.memory_space<semaphore_mem>>, %arg16: memref<!tpu.dma_semaphore, #tpu.memory_space<semaphore_mem>>, %arg17: memref<!tpu.dma_semaphore, #tpu.memory_space<semaphore_mem>>, %arg18: memref<!tpu.dma_semaphore, #tpu.memory_space<semaphore_mem>>, %arg19: memref<!tpu.dma_semaphore, #tpu.memory_space<semaphore_mem>>, %arg20: memref<!tpu.dma_semaphore, #tpu.memory_space<semaphore_mem>>, %arg21: memref<!tpu.dma_semaphore, #tpu.memory_space<semaphore_mem>>) attributes {dimension_semantics = [#tpu.dimension_semantics<core_parallel>, #tpu.dimension_semantics<subcore_parallel>], iteration_bounds = array<i64: 2, 16>, scalar_prefetch = 0 : i64, scratch_operands = 16 : i64, tpu.core_type = #tpu.core_type<sc_vector_subcore>, window_params = [{transform_indices = #map}, {transform_indices = #map}, {transform_indices = #map}, {transform_indices = #map}]} {
    %mul3A = arith.constant 2 : i32
    %mul3A_0 = arith.muli %arg1, %mul3A : i32
    %add3A = arith.addi %mul3A_0, %arg0 : i32
    %mul3A_1 = arith.constant 512 : i32
    %mul3A_2 = arith.muli %add3A, %mul3A_1 : i32
    %jit3A = arith.constant 8 : i32
    %div3A = arith.divsi %add3A, %jit3A : i32
    %sign3A = arith.constant 0 : i32
    %sign3A_3 = arith.cmpi sgt, %add3A, %sign3A : i32
    %sign3A_4 = arith.extui %sign3A_3 : i1 to i32
    %sign3A_5 = arith.constant 0 : i32
    %sign3A_6 = arith.cmpi slt, %add3A, %sign3A_5 : i32
    %sign3A_7 = arith.extui %sign3A_6 : i1 to i32
    %sign3A_8 = arith.subi %sign3A_4, %sign3A_7 : i32
    %sign3A_9 = arith.constant 0 : i32
    %sign3A_10 = arith.cmpi sgt, %jit3A, %sign3A_9 : i32
    %sign3A_11 = arith.extui %sign3A_10 : i1 to i32
    %sign3A_12 = arith.constant 0 : i32
    %sign3A_13 = arith.cmpi slt, %jit3A, %sign3A_12 : i32
    %sign3A_14 = arith.extui %sign3A_13 : i1 to i32
    %sign3A_15 = arith.subi %sign3A_11, %sign3A_14 : i32
    %ne3A = arith.cmpi ne, %sign3A_8, %sign3A_15 : i32
    %rem3A = arith.remsi %add3A, %jit3A : i32
    %ne3A_16 = arith.constant 0 : i32
    %ne3A_17 = arith.cmpi ne, %rem3A, %ne3A_16 : i32
    %and3A = arith.andi %ne3A, %ne3A_17 : i1
    %sub3A = arith.constant 1 : i32
    %sub3A_18 = arith.subi %div3A, %sub3A : i32
    %select_n3A = arith.select %and3A, %sub3A_18, %div3A : i32
    %jit3A_19 = arith.constant 8 : i32
    %eq3A = arith.constant 0 : i32
    %eq3A_20 = arith.cmpi eq, %jit3A_19, %eq3A : i32
    %jit3A_21 = arith.constant 1 : i32
    %select_n3A_22 = arith.select %eq3A_20, %jit3A_21, %jit3A_19 : i32
    %rem3A_23 = arith.remsi %add3A, %select_n3A_22 : i32
    %ne3A_24 = arith.constant 0 : i32
    %ne3A_25 = arith.cmpi ne, %rem3A_23, %ne3A_24 : i32
    %lt3A = arith.constant 0 : i32
    %lt3A_26 = arith.cmpi slt, %rem3A_23, %lt3A : i32
    %lt3A_27 = arith.constant 0 : i32
    %lt3A_28 = arith.cmpi slt, %select_n3A_22, %lt3A_27 : i32
    %ne3A_29 = arith.xori %lt3A_26, %lt3A_28 : i1
    %and3A_30 = arith.andi %ne3A_29, %ne3A_25 : i1
    %add3A_31 = arith.addi %rem3A_23, %select_n3A_22 : i32
    %select_n3A_32 = arith.select %and3A_30, %add3A_31, %rem3A_23 : i32
    %mul3A_33 = arith.constant 512 : i32
    %mul3A_34 = arith.muli %select_n3A_32, %mul3A_33 : i32
    "tpu.region"() ({
      %run_scoped3A = tpu.sem_alloc : memref<!tpu.dma_semaphore, #tpu.memory_space<semaphore_mem>>
      %dma_start3A_395 = tpu.memref_slice %arg2[%select_n3A, %mul3A_34] : memref<4x4096xi32, #tpu.memory_space<hbm>> -> memref<1x512xi32, #tpu.memory_space<hbm>>
      %dma_start3A_396 = tpu.memref_squeeze %dma_start3A_395 : memref<1x512xi32, #tpu.memory_space<hbm>> -> memref<512xi32, #tpu.memory_space<hbm>>
      %dma_start3A_397 = tpu.memref_slice %arg2[%select_n3A, %mul3A_34] : memref<4x4096xi32, #tpu.memory_space<hbm>> -> memref<1x512xi32, #tpu.memory_space<hbm>>
      %dma_start3A_398 = tpu.memref_squeeze %dma_start3A_397 : memref<1x512xi32, #tpu.memory_space<hbm>> -> memref<512xi32, #tpu.memory_space<hbm>>
      tpu.enqueue_dma source(%dma_start3A_398 : memref<512xi32, #tpu.memory_space<hbm>>) target(%arg6 : memref<512xi32, #tpu.memory_space<vmem>>) target_semaphore(%run_scoped3A : memref<!tpu.dma_semaphore, #tpu.memory_space<semaphore_mem>>)
      %dma_wait3A_399 = tpu.memref_slice %arg2[%select_n3A, %mul3A_34] : memref<4x4096xi32, #tpu.memory_space<hbm>> -> memref<1x512xi32, #tpu.memory_space<hbm>>
      %dma_wait3A_400 = tpu.memref_squeeze %dma_wait3A_399 : memref<1x512xi32, #tpu.memory_space<hbm>> -> memref<512xi32, #tpu.memory_space<hbm>>
      %dma_wait3A_401 = tpu.memref_slice %arg2[%select_n3A, %mul3A_34] : memref<4x4096xi32, #tpu.memory_space<hbm>> -> memref<1x512xi32, #tpu.memory_space<hbm>>
      %dma_wait3A_402 = tpu.memref_squeeze %dma_wait3A_401 : memref<1x512xi32, #tpu.memory_space<hbm>> -> memref<512xi32, #tpu.memory_space<hbm>>
      tpu.wait_dma2 semaphore(%run_scoped3A : memref<!tpu.dma_semaphore, #tpu.memory_space<semaphore_mem>>) src(%dma_wait3A_402 : memref<512xi32, #tpu.memory_space<hbm>>) dst(%arg6 : memref<512xi32, #tpu.memory_space<vmem>>)
      tpu.yield
    }) : () -> ()
    %jit3A_35 = arith.constant 8 : i32
    %div3A_36 = arith.divsi %add3A, %jit3A_35 : i32
    %sign3A_37 = arith.constant 0 : i32
    %sign3A_38 = arith.cmpi sgt, %add3A, %sign3A_37 : i32
    %sign3A_39 = arith.extui %sign3A_38 : i1 to i32
    %sign3A_40 = arith.constant 0 : i32
    %sign3A_41 = arith.cmpi slt, %add3A, %sign3A_40 : i32
    %sign3A_42 = arith.extui %sign3A_41 : i1 to i32
    %sign3A_43 = arith.subi %sign3A_39, %sign3A_42 : i32
    %sign3A_44 = arith.constant 0 : i32
    %sign3A_45 = arith.cmpi sgt, %jit3A_35, %sign3A_44 : i32
    %sign3A_46 = arith.extui %sign3A_45 : i1 to i32
    %sign3A_47 = arith.constant 0 : i32
    %sign3A_48 = arith.cmpi slt, %jit3A_35, %sign3A_47 : i32
    %sign3A_49 = arith.extui %sign3A_48 : i1 to i32
    %sign3A_50 = arith.subi %sign3A_46, %sign3A_49 : i32
    %ne3A_51 = arith.cmpi ne, %sign3A_43, %sign3A_50 : i32
    %rem3A_52 = arith.remsi %add3A, %jit3A_35 : i32
    %ne3A_53 = arith.constant 0 : i32
    %ne3A_54 = arith.cmpi ne, %rem3A_52, %ne3A_53 : i32
    %and3A_55 = arith.andi %ne3A_51, %ne3A_54 : i1
    %sub3A_56 = arith.constant 1 : i32
    %sub3A_57 = arith.subi %div3A_36, %sub3A_56 : i32
    %select_n3A_58 = arith.select %and3A_55, %sub3A_57, %div3A_36 : i32
    %jit3A_59 = arith.constant 8 : i32
    %eq3A_60 = arith.constant 0 : i32
    %eq3A_61 = arith.cmpi eq, %jit3A_59, %eq3A_60 : i32
    %jit3A_62 = arith.constant 1 : i32
    %select_n3A_63 = arith.select %eq3A_61, %jit3A_62, %jit3A_59 : i32
    %rem3A_64 = arith.remsi %add3A, %select_n3A_63 : i32
    %ne3A_65 = arith.constant 0 : i32
    %ne3A_66 = arith.cmpi ne, %rem3A_64, %ne3A_65 : i32
    %lt3A_67 = arith.constant 0 : i32
    %lt3A_68 = arith.cmpi slt, %rem3A_64, %lt3A_67 : i32
    %lt3A_69 = arith.constant 0 : i32
    %lt3A_70 = arith.cmpi slt, %select_n3A_63, %lt3A_69 : i32
    %ne3A_71 = arith.xori %lt3A_68, %lt3A_70 : i1
    %and3A_72 = arith.andi %ne3A_71, %ne3A_66 : i1
    %add3A_73 = arith.addi %rem3A_64, %select_n3A_63 : i32
    %select_n3A_74 = arith.select %and3A_72, %add3A_73, %rem3A_64 : i32
    %mul3A_75 = arith.constant 512 : i32
    %mul3A_76 = arith.muli %select_n3A_74, %mul3A_75 : i32
    "tpu.region"() ({
      %run_scoped3A = tpu.sem_alloc : memref<!tpu.dma_semaphore, #tpu.memory_space<semaphore_mem>>
      %dma_start3A_395 = tpu.memref_slice %arg5[%select_n3A_58, %mul3A_76] : memref<4x4096xi32, #tpu.memory_space<hbm>> -> memref<1x512xi32, #tpu.memory_space<hbm>>
      %dma_start3A_396 = tpu.memref_squeeze %dma_start3A_395 : memref<1x512xi32, #tpu.memory_space<hbm>> -> memref<512xi32, #tpu.memory_space<hbm>>
      %dma_start3A_397 = tpu.memref_slice %arg5[%select_n3A_58, %mul3A_76] : memref<4x4096xi32, #tpu.memory_space<hbm>> -> memref<1x512xi32, #tpu.memory_space<hbm>>
      %dma_start3A_398 = tpu.memref_squeeze %dma_start3A_397 : memref<1x512xi32, #tpu.memory_space<hbm>> -> memref<512xi32, #tpu.memory_space<hbm>>
      tpu.enqueue_dma source(%arg6 : memref<512xi32, #tpu.memory_space<vmem>>) target(%dma_start3A_398 : memref<512xi32, #tpu.memory_space<hbm>>) target_semaphore(%run_scoped3A : memref<!tpu.dma_semaphore, #tpu.memory_space<semaphore_mem>>)
      %dma_wait3A_399 = tpu.memref_slice %arg5[%select_n3A_58, %mul3A_76] : memref<4x4096xi32, #tpu.memory_space<hbm>> -> memref<1x512xi32, #tpu.memory_space<hbm>>
      %dma_wait3A_400 = tpu.memref_squeeze %dma_wait3A_399 : memref<1x512xi32, #tpu.memory_space<hbm>> -> memref<512xi32, #tpu.memory_space<hbm>>
      %dma_wait3A_401 = tpu.memref_slice %arg5[%select_n3A_58, %mul3A_76] : memref<4x4096xi32, #tpu.memory_space<hbm>> -> memref<1x512xi32, #tpu.memory_space<hbm>>
      %dma_wait3A_402 = tpu.memref_squeeze %dma_wait3A_401 : memref<1x512xi32, #tpu.memory_space<hbm>> -> memref<512xi32, #tpu.memory_space<hbm>>
      tpu.wait_dma2 semaphore(%run_scoped3A : memref<!tpu.dma_semaphore, #tpu.memory_space<semaphore_mem>>) src(%arg6 : memref<512xi32, #tpu.memory_space<vmem>>) dst(%dma_wait3A_402 : memref<512xi32, #tpu.memory_space<hbm>>)
      tpu.yield
    }) : () -> ()
    %dma_start3A = arith.constant 0 : i32
    %dma_start3A_77 = tpu.memref_slice %arg6[%dma_start3A] : memref<512xi32, #tpu.memory_space<vmem>> -> memref<32xi32, #tpu.memory_space<vmem>>
    %dma_start3A_78 = arith.constant 0 : i32
    %dma_start3A_79 = arith.constant 0 : i32
    %dma_start3A_80 = tpu.memref_slice %arg3[%dma_start3A_78, %dma_start3A_79] : memref<100000x768xf32, #tpu.memory_space<hbm>> -> memref<100000x768xf32, #tpu.memory_space<hbm>>
    tpu.enqueue_indirect_dma source(%dma_start3A_80 : memref<100000x768xf32, #tpu.memory_space<hbm>>) target(%arg7 : memref<32x768xf32, #tpu.memory_space<vmem>>) offsets(%dma_start3A_77 : memref<32xi32, #tpu.memory_space<vmem>>) semaphore(%arg12 : memref<!tpu.dma_semaphore, #tpu.memory_space<semaphore_mem>>)
    %dma_start3A_81 = arith.constant 32 : i32
    %dma_start3A_82 = tpu.memref_slice %arg6[%dma_start3A_81] : memref<512xi32, #tpu.memory_space<vmem>> -> memref<32xi32, #tpu.memory_space<vmem>>
    %dma_start3A_83 = arith.constant 0 : i32
    %dma_start3A_84 = arith.constant 0 : i32
    %dma_start3A_85 = tpu.memref_slice %arg3[%dma_start3A_83, %dma_start3A_84] : memref<100000x768xf32, #tpu.memory_space<hbm>> -> memref<100000x768xf32, #tpu.memory_space<hbm>>
    tpu.enqueue_indirect_dma source(%dma_start3A_85 : memref<100000x768xf32, #tpu.memory_space<hbm>>) target(%arg8 : memref<32x768xf32, #tpu.memory_space<vmem>>) offsets(%dma_start3A_82 : memref<32xi32, #tpu.memory_space<vmem>>) semaphore(%arg13 : memref<!tpu.dma_semaphore, #tpu.memory_space<semaphore_mem>>)
    %dma_start3A_86 = arith.constant 64 : i32
    %dma_start3A_87 = tpu.memref_slice %arg6[%dma_start3A_86] : memref<512xi32, #tpu.memory_space<vmem>> -> memref<32xi32, #tpu.memory_space<vmem>>
    %dma_start3A_88 = arith.constant 0 : i32
    %dma_start3A_89 = arith.constant 0 : i32
    %dma_start3A_90 = tpu.memref_slice %arg3[%dma_start3A_88, %dma_start3A_89] : memref<100000x768xf32, #tpu.memory_space<hbm>> -> memref<100000x768xf32, #tpu.memory_space<hbm>>
    tpu.enqueue_indirect_dma source(%dma_start3A_90 : memref<100000x768xf32, #tpu.memory_space<hbm>>) target(%arg9 : memref<32x768xf32, #tpu.memory_space<vmem>>) offsets(%dma_start3A_87 : memref<32xi32, #tpu.memory_space<vmem>>) semaphore(%arg14 : memref<!tpu.dma_semaphore, #tpu.memory_space<semaphore_mem>>)
    %dma_start3A_91 = arith.constant 96 : i32
    %dma_start3A_92 = tpu.memref_slice %arg6[%dma_start3A_91] : memref<512xi32, #tpu.memory_space<vmem>> -> memref<32xi32, #tpu.memory_space<vmem>>
    %dma_start3A_93 = arith.constant 0 : i32
    %dma_start3A_94 = arith.constant 0 : i32
    %dma_start3A_95 = tpu.memref_slice %arg3[%dma_start3A_93, %dma_start3A_94] : memref<100000x768xf32, #tpu.memory_space<hbm>> -> memref<100000x768xf32, #tpu.memory_space<hbm>>
    tpu.enqueue_indirect_dma source(%dma_start3A_95 : memref<100000x768xf32, #tpu.memory_space<hbm>>) target(%arg10 : memref<32x768xf32, #tpu.memory_space<vmem>>) offsets(%dma_start3A_92 : memref<32xi32, #tpu.memory_space<vmem>>) semaphore(%arg15 : memref<!tpu.dma_semaphore, #tpu.memory_space<semaphore_mem>>)
    %dma_wait3A = arith.constant 0 : i32
    %dma_wait3A_96 = tpu.memref_slice %arg6[%dma_wait3A] : memref<512xi32, #tpu.memory_space<vmem>> -> memref<32xi32, #tpu.memory_space<vmem>>
    %dma_wait3A_97 = arith.constant 0 : i32
    %dma_wait3A_98 = arith.constant 0 : i32
    %dma_wait3A_99 = tpu.memref_slice %arg3[%dma_wait3A_97, %dma_wait3A_98] : memref<100000x768xf32, #tpu.memory_space<hbm>> -> memref<100000x768xf32, #tpu.memory_space<hbm>>
    tpu.wait_indirect_dma semaphore(%arg12 : memref<!tpu.dma_semaphore, #tpu.memory_space<semaphore_mem>>) src(%dma_wait3A_99 : memref<100000x768xf32, #tpu.memory_space<hbm>>) dst(%arg7 : memref<32x768xf32, #tpu.memory_space<vmem>>)
    %add3A_100 = arith.constant 0 : i32
    %add3A_101 = arith.addi %mul3A_2, %add3A_100 : i32
    %dma_start3A_102 = arith.constant 0 : i32
    %dma_start3A_103 = tpu.memref_slice %arg4[%add3A_101, %dma_start3A_102] : memref<16384x768xf32, #tpu.memory_space<hbm>> -> memref<32x768xf32, #tpu.memory_space<hbm>>
    %dma_start3A_104 = arith.constant 0 : i32
    %dma_start3A_105 = tpu.memref_slice %arg4[%add3A_101, %dma_start3A_104] : memref<16384x768xf32, #tpu.memory_space<hbm>> -> memref<32x768xf32, #tpu.memory_space<hbm>>
    tpu.enqueue_dma source(%arg7 : memref<32x768xf32, #tpu.memory_space<vmem>>) target(%dma_start3A_105 : memref<32x768xf32, #tpu.memory_space<hbm>>) target_semaphore(%arg17 : memref<!tpu.dma_semaphore, #tpu.memory_space<semaphore_mem>>)
    %dma_start3A_106 = arith.constant 128 : i32
    %dma_start3A_107 = tpu.memref_slice %arg6[%dma_start3A_106] : memref<512xi32, #tpu.memory_space<vmem>> -> memref<32xi32, #tpu.memory_space<vmem>>
    %dma_start3A_108 = arith.constant 0 : i32
    %dma_start3A_109 = arith.constant 0 : i32
    %dma_start3A_110 = tpu.memref_slice %arg3[%dma_start3A_108, %dma_start3A_109] : memref<100000x768xf32, #tpu.memory_space<hbm>> -> memref<100000x768xf32, #tpu.memory_space<hbm>>
    tpu.enqueue_indirect_dma source(%dma_start3A_110 : memref<100000x768xf32, #tpu.memory_space<hbm>>) target(%arg11 : memref<32x768xf32, #tpu.memory_space<vmem>>) offsets(%dma_start3A_107 : memref<32xi32, #tpu.memory_space<vmem>>) semaphore(%arg16 : memref<!tpu.dma_semaphore, #tpu.memory_space<semaphore_mem>>)
    %dma_wait3A_111 = arith.constant 32 : i32
    %dma_wait3A_112 = tpu.memref_slice %arg6[%dma_wait3A_111] : memref<512xi32, #tpu.memory_space<vmem>> -> memref<32xi32, #tpu.memory_space<vmem>>
    %dma_wait3A_113 = arith.constant 0 : i32
    %dma_wait3A_114 = arith.constant 0 : i32
    %dma_wait3A_115 = tpu.memref_slice %arg3[%dma_wait3A_113, %dma_wait3A_114] : memref<100000x768xf32, #tpu.memory_space<hbm>> -> memref<100000x768xf32, #tpu.memory_space<hbm>>
    tpu.wait_indirect_dma semaphore(%arg13 : memref<!tpu.dma_semaphore, #tpu.memory_space<semaphore_mem>>) src(%dma_wait3A_115 : memref<100000x768xf32, #tpu.memory_space<hbm>>) dst(%arg8 : memref<32x768xf32, #tpu.memory_space<vmem>>)
    %add3A_116 = arith.constant 32 : i32
    %add3A_117 = arith.addi %mul3A_2, %add3A_116 : i32
    %dma_start3A_118 = arith.constant 0 : i32
    %dma_start3A_119 = tpu.memref_slice %arg4[%add3A_117, %dma_start3A_118] : memref<16384x768xf32, #tpu.memory_space<hbm>> -> memref<32x768xf32, #tpu.memory_space<hbm>>
    %dma_start3A_120 = arith.constant 0 : i32
    %dma_start3A_121 = tpu.memref_slice %arg4[%add3A_117, %dma_start3A_120] : memref<16384x768xf32, #tpu.memory_space<hbm>> -> memref<32x768xf32, #tpu.memory_space<hbm>>
    tpu.enqueue_dma source(%arg8 : memref<32x768xf32, #tpu.memory_space<vmem>>) target(%dma_start3A_121 : memref<32x768xf32, #tpu.memory_space<hbm>>) target_semaphore(%arg18 : memref<!tpu.dma_semaphore, #tpu.memory_space<semaphore_mem>>)
    %dma_wait3A_122 = arith.constant 0 : i32
    %dma_wait3A_123 = tpu.memref_slice %arg4[%add3A_101, %dma_wait3A_122] : memref<16384x768xf32, #tpu.memory_space<hbm>> -> memref<32x768xf32, #tpu.memory_space<hbm>>
    %dma_wait3A_124 = arith.constant 0 : i32
    %dma_wait3A_125 = tpu.memref_slice %arg4[%add3A_101, %dma_wait3A_124] : memref<16384x768xf32, #tpu.memory_space<hbm>> -> memref<32x768xf32, #tpu.memory_space<hbm>>
    tpu.wait_dma2 semaphore(%arg17 : memref<!tpu.dma_semaphore, #tpu.memory_space<semaphore_mem>>) src(%arg7 : memref<32x768xf32, #tpu.memory_space<vmem>>) dst(%dma_wait3A_125 : memref<32x768xf32, #tpu.memory_space<hbm>>)
    %dma_start3A_126 = arith.constant 160 : i32
    %dma_start3A_127 = tpu.memref_slice %arg6[%dma_start3A_126] : memref<512xi32, #tpu.memory_space<vmem>> -> memref<32xi32, #tpu.memory_space<vmem>>
    %dma_start3A_128 = arith.constant 0 : i32
    %dma_start3A_129 = arith.constant 0 : i32
    %dma_start3A_130 = tpu.memref_slice %arg3[%dma_start3A_128, %dma_start3A_129] : memref<100000x768xf32, #tpu.memory_space<hbm>> -> memref<100000x768xf32, #tpu.memory_space<hbm>>
    tpu.enqueue_indirect_dma source(%dma_start3A_130 : memref<100000x768xf32, #tpu.memory_space<hbm>>) target(%arg7 : memref<32x768xf32, #tpu.memory_space<vmem>>) offsets(%dma_start3A_127 : memref<32xi32, #tpu.memory_space<vmem>>) semaphore(%arg12 : memref<!tpu.dma_semaphore, #tpu.memory_space<semaphore_mem>>)
    %dma_wait3A_131 = arith.constant 64 : i32
    %dma_wait3A_132 = tpu.memref_slice %arg6[%dma_wait3A_131] : memref<512xi32, #tpu.memory_space<vmem>> -> memref<32xi32, #tpu.memory_space<vmem>>
    %dma_wait3A_133 = arith.constant 0 : i32
    %dma_wait3A_134 = arith.constant 0 : i32
    %dma_wait3A_135 = tpu.memref_slice %arg3[%dma_wait3A_133, %dma_wait3A_134] : memref<100000x768xf32, #tpu.memory_space<hbm>> -> memref<100000x768xf32, #tpu.memory_space<hbm>>
    tpu.wait_indirect_dma semaphore(%arg14 : memref<!tpu.dma_semaphore, #tpu.memory_space<semaphore_mem>>) src(%dma_wait3A_135 : memref<100000x768xf32, #tpu.memory_space<hbm>>) dst(%arg9 : memref<32x768xf32, #tpu.memory_space<vmem>>)
    %add3A_136 = arith.constant 64 : i32
    %add3A_137 = arith.addi %mul3A_2, %add3A_136 : i32
    %dma_start3A_138 = arith.constant 0 : i32
    %dma_start3A_139 = tpu.memref_slice %arg4[%add3A_137, %dma_start3A_138] : memref<16384x768xf32, #tpu.memory_space<hbm>> -> memref<32x768xf32, #tpu.memory_space<hbm>>
    %dma_start3A_140 = arith.constant 0 : i32
    %dma_start3A_141 = tpu.memref_slice %arg4[%add3A_137, %dma_start3A_140] : memref<16384x768xf32, #tpu.memory_space<hbm>> -> memref<32x768xf32, #tpu.memory_space<hbm>>
    tpu.enqueue_dma source(%arg9 : memref<32x768xf32, #tpu.memory_space<vmem>>) target(%dma_start3A_141 : memref<32x768xf32, #tpu.memory_space<hbm>>) target_semaphore(%arg19 : memref<!tpu.dma_semaphore, #tpu.memory_space<semaphore_mem>>)
    %dma_wait3A_142 = arith.constant 0 : i32
    %dma_wait3A_143 = tpu.memref_slice %arg4[%add3A_117, %dma_wait3A_142] : memref<16384x768xf32, #tpu.memory_space<hbm>> -> memref<32x768xf32, #tpu.memory_space<hbm>>
    %dma_wait3A_144 = arith.constant 0 : i32
    %dma_wait3A_145 = tpu.memref_slice %arg4[%add3A_117, %dma_wait3A_144] : memref<16384x768xf32, #tpu.memory_space<hbm>> -> memref<32x768xf32, #tpu.memory_space<hbm>>
    tpu.wait_dma2 semaphore(%arg18 : memref<!tpu.dma_semaphore, #tpu.memory_space<semaphore_mem>>) src(%arg8 : memref<32x768xf32, #tpu.memory_space<vmem>>) dst(%dma_wait3A_145 : memref<32x768xf32, #tpu.memory_space<hbm>>)
    %dma_start3A_146 = arith.constant 192 : i32
    %dma_start3A_147 = tpu.memref_slice %arg6[%dma_start3A_146] : memref<512xi32, #tpu.memory_space<vmem>> -> memref<32xi32, #tpu.memory_space<vmem>>
    %dma_start3A_148 = arith.constant 0 : i32
    %dma_start3A_149 = arith.constant 0 : i32
    %dma_start3A_150 = tpu.memref_slice %arg3[%dma_start3A_148, %dma_start3A_149] : memref<100000x768xf32, #tpu.memory_space<hbm>> -> memref<100000x768xf32, #tpu.memory_space<hbm>>
    tpu.enqueue_indirect_dma source(%dma_start3A_150 : memref<100000x768xf32, #tpu.memory_space<hbm>>) target(%arg8 : memref<32x768xf32, #tpu.memory_space<vmem>>) offsets(%dma_start3A_147 : memref<32xi32, #tpu.memory_space<vmem>>) semaphore(%arg13 : memref<!tpu.dma_semaphore, #tpu.memory_space<semaphore_mem>>)
    %dma_wait3A_151 = arith.constant 96 : i32
    %dma_wait3A_152 = tpu.memref_slice %arg6[%dma_wait3A_151] : memref<512xi32, #tpu.memory_space<vmem>> -> memref<32xi32, #tpu.memory_space<vmem>>
    %dma_wait3A_153 = arith.constant 0 : i32
    %dma_wait3A_154 = arith.constant 0 : i32
    %dma_wait3A_155 = tpu.memref_slice %arg3[%dma_wait3A_153, %dma_wait3A_154] : memref<100000x768xf32, #tpu.memory_space<hbm>> -> memref<100000x768xf32, #tpu.memory_space<hbm>>
    tpu.wait_indirect_dma semaphore(%arg15 : memref<!tpu.dma_semaphore, #tpu.memory_space<semaphore_mem>>) src(%dma_wait3A_155 : memref<100000x768xf32, #tpu.memory_space<hbm>>) dst(%arg10 : memref<32x768xf32, #tpu.memory_space<vmem>>)
    %add3A_156 = arith.constant 96 : i32
    %add3A_157 = arith.addi %mul3A_2, %add3A_156 : i32
    %dma_start3A_158 = arith.constant 0 : i32
    %dma_start3A_159 = tpu.memref_slice %arg4[%add3A_157, %dma_start3A_158] : memref<16384x768xf32, #tpu.memory_space<hbm>> -> memref<32x768xf32, #tpu.memory_space<hbm>>
    %dma_start3A_160 = arith.constant 0 : i32
    %dma_start3A_161 = tpu.memref_slice %arg4[%add3A_157, %dma_start3A_160] : memref<16384x768xf32, #tpu.memory_space<hbm>> -> memref<32x768xf32, #tpu.memory_space<hbm>>
    tpu.enqueue_dma source(%arg10 : memref<32x768xf32, #tpu.memory_space<vmem>>) target(%dma_start3A_161 : memref<32x768xf32, #tpu.memory_space<hbm>>) target_semaphore(%arg20 : memref<!tpu.dma_semaphore, #tpu.memory_space<semaphore_mem>>)
    %dma_wait3A_162 = arith.constant 0 : i32
    %dma_wait3A_163 = tpu.memref_slice %arg4[%add3A_137, %dma_wait3A_162] : memref<16384x768xf32, #tpu.memory_space<hbm>> -> memref<32x768xf32, #tpu.memory_space<hbm>>
    %dma_wait3A_164 = arith.constant 0 : i32
    %dma_wait3A_165 = tpu.memref_slice %arg4[%add3A_137, %dma_wait3A_164] : memref<16384x768xf32, #tpu.memory_space<hbm>> -> memref<32x768xf32, #tpu.memory_space<hbm>>
    tpu.wait_dma2 semaphore(%arg19 : memref<!tpu.dma_semaphore, #tpu.memory_space<semaphore_mem>>) src(%arg9 : memref<32x768xf32, #tpu.memory_space<vmem>>) dst(%dma_wait3A_165 : memref<32x768xf32, #tpu.memory_space<hbm>>)
    %dma_start3A_166 = arith.constant 224 : i32
    %dma_start3A_167 = tpu.memref_slice %arg6[%dma_start3A_166] : memref<512xi32, #tpu.memory_space<vmem>> -> memref<32xi32, #tpu.memory_space<vmem>>
    %dma_start3A_168 = arith.constant 0 : i32
    %dma_start3A_169 = arith.constant 0 : i32
    %dma_start3A_170 = tpu.memref_slice %arg3[%dma_start3A_168, %dma_start3A_169] : memref<100000x768xf32, #tpu.memory_space<hbm>> -> memref<100000x768xf32, #tpu.memory_space<hbm>>
    tpu.enqueue_indirect_dma source(%dma_start3A_170 : memref<100000x768xf32, #tpu.memory_space<hbm>>) target(%arg9 : memref<32x768xf32, #tpu.memory_space<vmem>>) offsets(%dma_start3A_167 : memref<32xi32, #tpu.memory_space<vmem>>) semaphore(%arg14 : memref<!tpu.dma_semaphore, #tpu.memory_space<semaphore_mem>>)
    %dma_wait3A_171 = arith.constant 128 : i32
    %dma_wait3A_172 = tpu.memref_slice %arg6[%dma_wait3A_171] : memref<512xi32, #tpu.memory_space<vmem>> -> memref<32xi32, #tpu.memory_space<vmem>>
    %dma_wait3A_173 = arith.constant 0 : i32
    %dma_wait3A_174 = arith.constant 0 : i32
    %dma_wait3A_175 = tpu.memref_slice %arg3[%dma_wait3A_173, %dma_wait3A_174] : memref<100000x768xf32, #tpu.memory_space<hbm>> -> memref<100000x768xf32, #tpu.memory_space<hbm>>
    tpu.wait_indirect_dma semaphore(%arg16 : memref<!tpu.dma_semaphore, #tpu.memory_space<semaphore_mem>>) src(%dma_wait3A_175 : memref<100000x768xf32, #tpu.memory_space<hbm>>) dst(%arg11 : memref<32x768xf32, #tpu.memory_space<vmem>>)
    %add3A_176 = arith.constant 128 : i32
    %add3A_177 = arith.addi %mul3A_2, %add3A_176 : i32
    %dma_start3A_178 = arith.constant 0 : i32
    %dma_start3A_179 = tpu.memref_slice %arg4[%add3A_177, %dma_start3A_178] : memref<16384x768xf32, #tpu.memory_space<hbm>> -> memref<32x768xf32, #tpu.memory_space<hbm>>
    %dma_start3A_180 = arith.constant 0 : i32
    %dma_start3A_181 = tpu.memref_slice %arg4[%add3A_177, %dma_start3A_180] : memref<16384x768xf32, #tpu.memory_space<hbm>> -> memref<32x768xf32, #tpu.memory_space<hbm>>
    tpu.enqueue_dma source(%arg11 : memref<32x768xf32, #tpu.memory_space<vmem>>) target(%dma_start3A_181 : memref<32x768xf32, #tpu.memory_space<hbm>>) target_semaphore(%arg21 : memref<!tpu.dma_semaphore, #tpu.memory_space<semaphore_mem>>)
    %dma_wait3A_182 = arith.constant 0 : i32
    %dma_wait3A_183 = tpu.memref_slice %arg4[%add3A_157, %dma_wait3A_182] : memref<16384x768xf32, #tpu.memory_space<hbm>> -> memref<32x768xf32, #tpu.memory_space<hbm>>
    %dma_wait3A_184 = arith.constant 0 : i32
    %dma_wait3A_185 = tpu.memref_slice %arg4[%add3A_157, %dma_wait3A_184] : memref<16384x768xf32, #tpu.memory_space<hbm>> -> memref<32x768xf32, #tpu.memory_space<hbm>>
    tpu.wait_dma2 semaphore(%arg20 : memref<!tpu.dma_semaphore, #tpu.memory_space<semaphore_mem>>) src(%arg10 : memref<32x768xf32, #tpu.memory_space<vmem>>) dst(%dma_wait3A_185 : memref<32x768xf32, #tpu.memory_space<hbm>>)
    %dma_start3A_186 = arith.constant 256 : i32
    %dma_start3A_187 = tpu.memref_slice %arg6[%dma_start3A_186] : memref<512xi32, #tpu.memory_space<vmem>> -> memref<32xi32, #tpu.memory_space<vmem>>
    %dma_start3A_188 = arith.constant 0 : i32
    %dma_start3A_189 = arith.constant 0 : i32
    %dma_start3A_190 = tpu.memref_slice %arg3[%dma_start3A_188, %dma_start3A_189] : memref<100000x768xf32, #tpu.memory_space<hbm>> -> memref<100000x768xf32, #tpu.memory_space<hbm>>
    tpu.enqueue_indirect_dma source(%dma_start3A_190 : memref<100000x768xf32, #tpu.memory_space<hbm>>) target(%arg10 : memref<32x768xf32, #tpu.memory_space<vmem>>) offsets(%dma_start3A_187 : memref<32xi32, #tpu.memory_space<vmem>>) semaphore(%arg15 : memref<!tpu.dma_semaphore, #tpu.memory_space<semaphore_mem>>)
    %dma_wait3A_191 = arith.constant 160 : i32
    %dma_wait3A_192 = tpu.memref_slice %arg6[%dma_wait3A_191] : memref<512xi32, #tpu.memory_space<vmem>> -> memref<32xi32, #tpu.memory_space<vmem>>
    %dma_wait3A_193 = arith.constant 0 : i32
    %dma_wait3A_194 = arith.constant 0 : i32
    %dma_wait3A_195 = tpu.memref_slice %arg3[%dma_wait3A_193, %dma_wait3A_194] : memref<100000x768xf32, #tpu.memory_space<hbm>> -> memref<100000x768xf32, #tpu.memory_space<hbm>>
    tpu.wait_indirect_dma semaphore(%arg12 : memref<!tpu.dma_semaphore, #tpu.memory_space<semaphore_mem>>) src(%dma_wait3A_195 : memref<100000x768xf32, #tpu.memory_space<hbm>>) dst(%arg7 : memref<32x768xf32, #tpu.memory_space<vmem>>)
    %add3A_196 = arith.constant 160 : i32
    %add3A_197 = arith.addi %mul3A_2, %add3A_196 : i32
    %dma_start3A_198 = arith.constant 0 : i32
    %dma_start3A_199 = tpu.memref_slice %arg4[%add3A_197, %dma_start3A_198] : memref<16384x768xf32, #tpu.memory_space<hbm>> -> memref<32x768xf32, #tpu.memory_space<hbm>>
    %dma_start3A_200 = arith.constant 0 : i32
    %dma_start3A_201 = tpu.memref_slice %arg4[%add3A_197, %dma_start3A_200] : memref<16384x768xf32, #tpu.memory_space<hbm>> -> memref<32x768xf32, #tpu.memory_space<hbm>>
    tpu.enqueue_dma source(%arg7 : memref<32x768xf32, #tpu.memory_space<vmem>>) target(%dma_start3A_201 : memref<32x768xf32, #tpu.memory_space<hbm>>) target_semaphore(%arg17 : memref<!tpu.dma_semaphore, #tpu.memory_space<semaphore_mem>>)
    %dma_wait3A_202 = arith.constant 0 : i32
    %dma_wait3A_203 = tpu.memref_slice %arg4[%add3A_177, %dma_wait3A_202] : memref<16384x768xf32, #tpu.memory_space<hbm>> -> memref<32x768xf32, #tpu.memory_space<hbm>>
    %dma_wait3A_204 = arith.constant 0 : i32
    %dma_wait3A_205 = tpu.memref_slice %arg4[%add3A_177, %dma_wait3A_204] : memref<16384x768xf32, #tpu.memory_space<hbm>> -> memref<32x768xf32, #tpu.memory_space<hbm>>
    tpu.wait_dma2 semaphore(%arg21 : memref<!tpu.dma_semaphore, #tpu.memory_space<semaphore_mem>>) src(%arg11 : memref<32x768xf32, #tpu.memory_space<vmem>>) dst(%dma_wait3A_205 : memref<32x768xf32, #tpu.memory_space<hbm>>)
    %dma_start3A_206 = arith.constant 288 : i32
    %dma_start3A_207 = tpu.memref_slice %arg6[%dma_start3A_206] : memref<512xi32, #tpu.memory_space<vmem>> -> memref<32xi32, #tpu.memory_space<vmem>>
    %dma_start3A_208 = arith.constant 0 : i32
    %dma_start3A_209 = arith.constant 0 : i32
    %dma_start3A_210 = tpu.memref_slice %arg3[%dma_start3A_208, %dma_start3A_209] : memref<100000x768xf32, #tpu.memory_space<hbm>> -> memref<100000x768xf32, #tpu.memory_space<hbm>>
    tpu.enqueue_indirect_dma source(%dma_start3A_210 : memref<100000x768xf32, #tpu.memory_space<hbm>>) target(%arg11 : memref<32x768xf32, #tpu.memory_space<vmem>>) offsets(%dma_start3A_207 : memref<32xi32, #tpu.memory_space<vmem>>) semaphore(%arg16 : memref<!tpu.dma_semaphore, #tpu.memory_space<semaphore_mem>>)
    %dma_wait3A_211 = arith.constant 192 : i32
    %dma_wait3A_212 = tpu.memref_slice %arg6[%dma_wait3A_211] : memref<512xi32, #tpu.memory_space<vmem>> -> memref<32xi32, #tpu.memory_space<vmem>>
    %dma_wait3A_213 = arith.constant 0 : i32
    %dma_wait3A_214 = arith.constant 0 : i32
    %dma_wait3A_215 = tpu.memref_slice %arg3[%dma_wait3A_213, %dma_wait3A_214] : memref<100000x768xf32, #tpu.memory_space<hbm>> -> memref<100000x768xf32, #tpu.memory_space<hbm>>
    tpu.wait_indirect_dma semaphore(%arg13 : memref<!tpu.dma_semaphore, #tpu.memory_space<semaphore_mem>>) src(%dma_wait3A_215 : memref<100000x768xf32, #tpu.memory_space<hbm>>) dst(%arg8 : memref<32x768xf32, #tpu.memory_space<vmem>>)
    %add3A_216 = arith.constant 192 : i32
    %add3A_217 = arith.addi %mul3A_2, %add3A_216 : i32
    %dma_start3A_218 = arith.constant 0 : i32
    %dma_start3A_219 = tpu.memref_slice %arg4[%add3A_217, %dma_start3A_218] : memref<16384x768xf32, #tpu.memory_space<hbm>> -> memref<32x768xf32, #tpu.memory_space<hbm>>
    %dma_start3A_220 = arith.constant 0 : i32
    %dma_start3A_221 = tpu.memref_slice %arg4[%add3A_217, %dma_start3A_220] : memref<16384x768xf32, #tpu.memory_space<hbm>> -> memref<32x768xf32, #tpu.memory_space<hbm>>
    tpu.enqueue_dma source(%arg8 : memref<32x768xf32, #tpu.memory_space<vmem>>) target(%dma_start3A_221 : memref<32x768xf32, #tpu.memory_space<hbm>>) target_semaphore(%arg18 : memref<!tpu.dma_semaphore, #tpu.memory_space<semaphore_mem>>)
    %dma_wait3A_222 = arith.constant 0 : i32
    %dma_wait3A_223 = tpu.memref_slice %arg4[%add3A_197, %dma_wait3A_222] : memref<16384x768xf32, #tpu.memory_space<hbm>> -> memref<32x768xf32, #tpu.memory_space<hbm>>
    %dma_wait3A_224 = arith.constant 0 : i32
    %dma_wait3A_225 = tpu.memref_slice %arg4[%add3A_197, %dma_wait3A_224] : memref<16384x768xf32, #tpu.memory_space<hbm>> -> memref<32x768xf32, #tpu.memory_space<hbm>>
    tpu.wait_dma2 semaphore(%arg17 : memref<!tpu.dma_semaphore, #tpu.memory_space<semaphore_mem>>) src(%arg7 : memref<32x768xf32, #tpu.memory_space<vmem>>) dst(%dma_wait3A_225 : memref<32x768xf32, #tpu.memory_space<hbm>>)
    %dma_start3A_226 = arith.constant 320 : i32
    %dma_start3A_227 = tpu.memref_slice %arg6[%dma_start3A_226] : memref<512xi32, #tpu.memory_space<vmem>> -> memref<32xi32, #tpu.memory_space<vmem>>
    %dma_start3A_228 = arith.constant 0 : i32
    %dma_start3A_229 = arith.constant 0 : i32
    %dma_start3A_230 = tpu.memref_slice %arg3[%dma_start3A_228, %dma_start3A_229] : memref<100000x768xf32, #tpu.memory_space<hbm>> -> memref<100000x768xf32, #tpu.memory_space<hbm>>
    tpu.enqueue_indirect_dma source(%dma_start3A_230 : memref<100000x768xf32, #tpu.memory_space<hbm>>) target(%arg7 : memref<32x768xf32, #tpu.memory_space<vmem>>) offsets(%dma_start3A_227 : memref<32xi32, #tpu.memory_space<vmem>>) semaphore(%arg12 : memref<!tpu.dma_semaphore, #tpu.memory_space<semaphore_mem>>)
    %dma_wait3A_231 = arith.constant 224 : i32
    %dma_wait3A_232 = tpu.memref_slice %arg6[%dma_wait3A_231] : memref<512xi32, #tpu.memory_space<vmem>> -> memref<32xi32, #tpu.memory_space<vmem>>
    %dma_wait3A_233 = arith.constant 0 : i32
    %dma_wait3A_234 = arith.constant 0 : i32
    %dma_wait3A_235 = tpu.memref_slice %arg3[%dma_wait3A_233, %dma_wait3A_234] : memref<100000x768xf32, #tpu.memory_space<hbm>> -> memref<100000x768xf32, #tpu.memory_space<hbm>>
    tpu.wait_indirect_dma semaphore(%arg14 : memref<!tpu.dma_semaphore, #tpu.memory_space<semaphore_mem>>) src(%dma_wait3A_235 : memref<100000x768xf32, #tpu.memory_space<hbm>>) dst(%arg9 : memref<32x768xf32, #tpu.memory_space<vmem>>)
    %add3A_236 = arith.constant 224 : i32
    %add3A_237 = arith.addi %mul3A_2, %add3A_236 : i32
    %dma_start3A_238 = arith.constant 0 : i32
    %dma_start3A_239 = tpu.memref_slice %arg4[%add3A_237, %dma_start3A_238] : memref<16384x768xf32, #tpu.memory_space<hbm>> -> memref<32x768xf32, #tpu.memory_space<hbm>>
    %dma_start3A_240 = arith.constant 0 : i32
    %dma_start3A_241 = tpu.memref_slice %arg4[%add3A_237, %dma_start3A_240] : memref<16384x768xf32, #tpu.memory_space<hbm>> -> memref<32x768xf32, #tpu.memory_space<hbm>>
    tpu.enqueue_dma source(%arg9 : memref<32x768xf32, #tpu.memory_space<vmem>>) target(%dma_start3A_241 : memref<32x768xf32, #tpu.memory_space<hbm>>) target_semaphore(%arg19 : memref<!tpu.dma_semaphore, #tpu.memory_space<semaphore_mem>>)
    %dma_wait3A_242 = arith.constant 0 : i32
    %dma_wait3A_243 = tpu.memref_slice %arg4[%add3A_217, %dma_wait3A_242] : memref<16384x768xf32, #tpu.memory_space<hbm>> -> memref<32x768xf32, #tpu.memory_space<hbm>>
    %dma_wait3A_244 = arith.constant 0 : i32
    %dma_wait3A_245 = tpu.memref_slice %arg4[%add3A_217, %dma_wait3A_244] : memref<16384x768xf32, #tpu.memory_space<hbm>> -> memref<32x768xf32, #tpu.memory_space<hbm>>
    tpu.wait_dma2 semaphore(%arg18 : memref<!tpu.dma_semaphore, #tpu.memory_space<semaphore_mem>>) src(%arg8 : memref<32x768xf32, #tpu.memory_space<vmem>>) dst(%dma_wait3A_245 : memref<32x768xf32, #tpu.memory_space<hbm>>)
    %dma_start3A_246 = arith.constant 352 : i32
    %dma_start3A_247 = tpu.memref_slice %arg6[%dma_start3A_246] : memref<512xi32, #tpu.memory_space<vmem>> -> memref<32xi32, #tpu.memory_space<vmem>>
    %dma_start3A_248 = arith.constant 0 : i32
    %dma_start3A_249 = arith.constant 0 : i32
    %dma_start3A_250 = tpu.memref_slice %arg3[%dma_start3A_248, %dma_start3A_249] : memref<100000x768xf32, #tpu.memory_space<hbm>> -> memref<100000x768xf32, #tpu.memory_space<hbm>>
    tpu.enqueue_indirect_dma source(%dma_start3A_250 : memref<100000x768xf32, #tpu.memory_space<hbm>>) target(%arg8 : memref<32x768xf32, #tpu.memory_space<vmem>>) offsets(%dma_start3A_247 : memref<32xi32, #tpu.memory_space<vmem>>) semaphore(%arg13 : memref<!tpu.dma_semaphore, #tpu.memory_space<semaphore_mem>>)
    %dma_wait3A_251 = arith.constant 256 : i32
    %dma_wait3A_252 = tpu.memref_slice %arg6[%dma_wait3A_251] : memref<512xi32, #tpu.memory_space<vmem>> -> memref<32xi32, #tpu.memory_space<vmem>>
    %dma_wait3A_253 = arith.constant 0 : i32
    %dma_wait3A_254 = arith.constant 0 : i32
    %dma_wait3A_255 = tpu.memref_slice %arg3[%dma_wait3A_253, %dma_wait3A_254] : memref<100000x768xf32, #tpu.memory_space<hbm>> -> memref<100000x768xf32, #tpu.memory_space<hbm>>
    tpu.wait_indirect_dma semaphore(%arg15 : memref<!tpu.dma_semaphore, #tpu.memory_space<semaphore_mem>>) src(%dma_wait3A_255 : memref<100000x768xf32, #tpu.memory_space<hbm>>) dst(%arg10 : memref<32x768xf32, #tpu.memory_space<vmem>>)
    %add3A_256 = arith.constant 256 : i32
    %add3A_257 = arith.addi %mul3A_2, %add3A_256 : i32
    %dma_start3A_258 = arith.constant 0 : i32
    %dma_start3A_259 = tpu.memref_slice %arg4[%add3A_257, %dma_start3A_258] : memref<16384x768xf32, #tpu.memory_space<hbm>> -> memref<32x768xf32, #tpu.memory_space<hbm>>
    %dma_start3A_260 = arith.constant 0 : i32
    %dma_start3A_261 = tpu.memref_slice %arg4[%add3A_257, %dma_start3A_260] : memref<16384x768xf32, #tpu.memory_space<hbm>> -> memref<32x768xf32, #tpu.memory_space<hbm>>
    tpu.enqueue_dma source(%arg10 : memref<32x768xf32, #tpu.memory_space<vmem>>) target(%dma_start3A_261 : memref<32x768xf32, #tpu.memory_space<hbm>>) target_semaphore(%arg20 : memref<!tpu.dma_semaphore, #tpu.memory_space<semaphore_mem>>)
    %dma_wait3A_262 = arith.constant 0 : i32
    %dma_wait3A_263 = tpu.memref_slice %arg4[%add3A_237, %dma_wait3A_262] : memref<16384x768xf32, #tpu.memory_space<hbm>> -> memref<32x768xf32, #tpu.memory_space<hbm>>
    %dma_wait3A_264 = arith.constant 0 : i32
    %dma_wait3A_265 = tpu.memref_slice %arg4[%add3A_237, %dma_wait3A_264] : memref<16384x768xf32, #tpu.memory_space<hbm>> -> memref<32x768xf32, #tpu.memory_space<hbm>>
    tpu.wait_dma2 semaphore(%arg19 : memref<!tpu.dma_semaphore, #tpu.memory_space<semaphore_mem>>) src(%arg9 : memref<32x768xf32, #tpu.memory_space<vmem>>) dst(%dma_wait3A_265 : memref<32x768xf32, #tpu.memory_space<hbm>>)
    %dma_start3A_266 = arith.constant 384 : i32
    %dma_start3A_267 = tpu.memref_slice %arg6[%dma_start3A_266] : memref<512xi32, #tpu.memory_space<vmem>> -> memref<32xi32, #tpu.memory_space<vmem>>
    %dma_start3A_268 = arith.constant 0 : i32
    %dma_start3A_269 = arith.constant 0 : i32
    %dma_start3A_270 = tpu.memref_slice %arg3[%dma_start3A_268, %dma_start3A_269] : memref<100000x768xf32, #tpu.memory_space<hbm>> -> memref<100000x768xf32, #tpu.memory_space<hbm>>
    tpu.enqueue_indirect_dma source(%dma_start3A_270 : memref<100000x768xf32, #tpu.memory_space<hbm>>) target(%arg9 : memref<32x768xf32, #tpu.memory_space<vmem>>) offsets(%dma_start3A_267 : memref<32xi32, #tpu.memory_space<vmem>>) semaphore(%arg14 : memref<!tpu.dma_semaphore, #tpu.memory_space<semaphore_mem>>)
    %dma_wait3A_271 = arith.constant 288 : i32
    %dma_wait3A_272 = tpu.memref_slice %arg6[%dma_wait3A_271] : memref<512xi32, #tpu.memory_space<vmem>> -> memref<32xi32, #tpu.memory_space<vmem>>
    %dma_wait3A_273 = arith.constant 0 : i32
    %dma_wait3A_274 = arith.constant 0 : i32
    %dma_wait3A_275 = tpu.memref_slice %arg3[%dma_wait3A_273, %dma_wait3A_274] : memref<100000x768xf32, #tpu.memory_space<hbm>> -> memref<100000x768xf32, #tpu.memory_space<hbm>>
    tpu.wait_indirect_dma semaphore(%arg16 : memref<!tpu.dma_semaphore, #tpu.memory_space<semaphore_mem>>) src(%dma_wait3A_275 : memref<100000x768xf32, #tpu.memory_space<hbm>>) dst(%arg11 : memref<32x768xf32, #tpu.memory_space<vmem>>)
    %add3A_276 = arith.constant 288 : i32
    %add3A_277 = arith.addi %mul3A_2, %add3A_276 : i32
    %dma_start3A_278 = arith.constant 0 : i32
    %dma_start3A_279 = tpu.memref_slice %arg4[%add3A_277, %dma_start3A_278] : memref<16384x768xf32, #tpu.memory_space<hbm>> -> memref<32x768xf32, #tpu.memory_space<hbm>>
    %dma_start3A_280 = arith.constant 0 : i32
    %dma_start3A_281 = tpu.memref_slice %arg4[%add3A_277, %dma_start3A_280] : memref<16384x768xf32, #tpu.memory_space<hbm>> -> memref<32x768xf32, #tpu.memory_space<hbm>>
    tpu.enqueue_dma source(%arg11 : memref<32x768xf32, #tpu.memory_space<vmem>>) target(%dma_start3A_281 : memref<32x768xf32, #tpu.memory_space<hbm>>) target_semaphore(%arg21 : memref<!tpu.dma_semaphore, #tpu.memory_space<semaphore_mem>>)
    %dma_wait3A_282 = arith.constant 0 : i32
    %dma_wait3A_283 = tpu.memref_slice %arg4[%add3A_257, %dma_wait3A_282] : memref<16384x768xf32, #tpu.memory_space<hbm>> -> memref<32x768xf32, #tpu.memory_space<hbm>>
    %dma_wait3A_284 = arith.constant 0 : i32
    %dma_wait3A_285 = tpu.memref_slice %arg4[%add3A_257, %dma_wait3A_284] : memref<16384x768xf32, #tpu.memory_space<hbm>> -> memref<32x768xf32, #tpu.memory_space<hbm>>
    tpu.wait_dma2 semaphore(%arg20 : memref<!tpu.dma_semaphore, #tpu.memory_space<semaphore_mem>>) src(%arg10 : memref<32x768xf32, #tpu.memory_space<vmem>>) dst(%dma_wait3A_285 : memref<32x768xf32, #tpu.memory_space<hbm>>)
    %dma_start3A_286 = arith.constant 416 : i32
    %dma_start3A_287 = tpu.memref_slice %arg6[%dma_start3A_286] : memref<512xi32, #tpu.memory_space<vmem>> -> memref<32xi32, #tpu.memory_space<vmem>>
    %dma_start3A_288 = arith.constant 0 : i32
    %dma_start3A_289 = arith.constant 0 : i32
    %dma_start3A_290 = tpu.memref_slice %arg3[%dma_start3A_288, %dma_start3A_289] : memref<100000x768xf32, #tpu.memory_space<hbm>> -> memref<100000x768xf32, #tpu.memory_space<hbm>>
    tpu.enqueue_indirect_dma source(%dma_start3A_290 : memref<100000x768xf32, #tpu.memory_space<hbm>>) target(%arg10 : memref<32x768xf32, #tpu.memory_space<vmem>>) offsets(%dma_start3A_287 : memref<32xi32, #tpu.memory_space<vmem>>) semaphore(%arg15 : memref<!tpu.dma_semaphore, #tpu.memory_space<semaphore_mem>>)
    %dma_wait3A_291 = arith.constant 320 : i32
    %dma_wait3A_292 = tpu.memref_slice %arg6[%dma_wait3A_291] : memref<512xi32, #tpu.memory_space<vmem>> -> memref<32xi32, #tpu.memory_space<vmem>>
    %dma_wait3A_293 = arith.constant 0 : i32
    %dma_wait3A_294 = arith.constant 0 : i32
    %dma_wait3A_295 = tpu.memref_slice %arg3[%dma_wait3A_293, %dma_wait3A_294] : memref<100000x768xf32, #tpu.memory_space<hbm>> -> memref<100000x768xf32, #tpu.memory_space<hbm>>
    tpu.wait_indirect_dma semaphore(%arg12 : memref<!tpu.dma_semaphore, #tpu.memory_space<semaphore_mem>>) src(%dma_wait3A_295 : memref<100000x768xf32, #tpu.memory_space<hbm>>) dst(%arg7 : memref<32x768xf32, #tpu.memory_space<vmem>>)
    %add3A_296 = arith.constant 320 : i32
    %add3A_297 = arith.addi %mul3A_2, %add3A_296 : i32
    %dma_start3A_298 = arith.constant 0 : i32
    %dma_start3A_299 = tpu.memref_slice %arg4[%add3A_297, %dma_start3A_298] : memref<16384x768xf32, #tpu.memory_space<hbm>> -> memref<32x768xf32, #tpu.memory_space<hbm>>
    %dma_start3A_300 = arith.constant 0 : i32
    %dma_start3A_301 = tpu.memref_slice %arg4[%add3A_297, %dma_start3A_300] : memref<16384x768xf32, #tpu.memory_space<hbm>> -> memref<32x768xf32, #tpu.memory_space<hbm>>
    tpu.enqueue_dma source(%arg7 : memref<32x768xf32, #tpu.memory_space<vmem>>) target(%dma_start3A_301 : memref<32x768xf32, #tpu.memory_space<hbm>>) target_semaphore(%arg17 : memref<!tpu.dma_semaphore, #tpu.memory_space<semaphore_mem>>)
    %dma_wait3A_302 = arith.constant 0 : i32
    %dma_wait3A_303 = tpu.memref_slice %arg4[%add3A_277, %dma_wait3A_302] : memref<16384x768xf32, #tpu.memory_space<hbm>> -> memref<32x768xf32, #tpu.memory_space<hbm>>
    %dma_wait3A_304 = arith.constant 0 : i32
    %dma_wait3A_305 = tpu.memref_slice %arg4[%add3A_277, %dma_wait3A_304] : memref<16384x768xf32, #tpu.memory_space<hbm>> -> memref<32x768xf32, #tpu.memory_space<hbm>>
    tpu.wait_dma2 semaphore(%arg21 : memref<!tpu.dma_semaphore, #tpu.memory_space<semaphore_mem>>) src(%arg11 : memref<32x768xf32, #tpu.memory_space<vmem>>) dst(%dma_wait3A_305 : memref<32x768xf32, #tpu.memory_space<hbm>>)
    %dma_start3A_306 = arith.constant 448 : i32
    %dma_start3A_307 = tpu.memref_slice %arg6[%dma_start3A_306] : memref<512xi32, #tpu.memory_space<vmem>> -> memref<32xi32, #tpu.memory_space<vmem>>
    %dma_start3A_308 = arith.constant 0 : i32
    %dma_start3A_309 = arith.constant 0 : i32
    %dma_start3A_310 = tpu.memref_slice %arg3[%dma_start3A_308, %dma_start3A_309] : memref<100000x768xf32, #tpu.memory_space<hbm>> -> memref<100000x768xf32, #tpu.memory_space<hbm>>
    tpu.enqueue_indirect_dma source(%dma_start3A_310 : memref<100000x768xf32, #tpu.memory_space<hbm>>) target(%arg11 : memref<32x768xf32, #tpu.memory_space<vmem>>) offsets(%dma_start3A_307 : memref<32xi32, #tpu.memory_space<vmem>>) semaphore(%arg16 : memref<!tpu.dma_semaphore, #tpu.memory_space<semaphore_mem>>)
    %dma_wait3A_311 = arith.constant 352 : i32
    %dma_wait3A_312 = tpu.memref_slice %arg6[%dma_wait3A_311] : memref<512xi32, #tpu.memory_space<vmem>> -> memref<32xi32, #tpu.memory_space<vmem>>
    %dma_wait3A_313 = arith.constant 0 : i32
    %dma_wait3A_314 = arith.constant 0 : i32
    %dma_wait3A_315 = tpu.memref_slice %arg3[%dma_wait3A_313, %dma_wait3A_314] : memref<100000x768xf32, #tpu.memory_space<hbm>> -> memref<100000x768xf32, #tpu.memory_space<hbm>>
    tpu.wait_indirect_dma semaphore(%arg13 : memref<!tpu.dma_semaphore, #tpu.memory_space<semaphore_mem>>) src(%dma_wait3A_315 : memref<100000x768xf32, #tpu.memory_space<hbm>>) dst(%arg8 : memref<32x768xf32, #tpu.memory_space<vmem>>)
    %add3A_316 = arith.constant 352 : i32
    %add3A_317 = arith.addi %mul3A_2, %add3A_316 : i32
    %dma_start3A_318 = arith.constant 0 : i32
    %dma_start3A_319 = tpu.memref_slice %arg4[%add3A_317, %dma_start3A_318] : memref<16384x768xf32, #tpu.memory_space<hbm>> -> memref<32x768xf32, #tpu.memory_space<hbm>>
    %dma_start3A_320 = arith.constant 0 : i32
    %dma_start3A_321 = tpu.memref_slice %arg4[%add3A_317, %dma_start3A_320] : memref<16384x768xf32, #tpu.memory_space<hbm>> -> memref<32x768xf32, #tpu.memory_space<hbm>>
    tpu.enqueue_dma source(%arg8 : memref<32x768xf32, #tpu.memory_space<vmem>>) target(%dma_start3A_321 : memref<32x768xf32, #tpu.memory_space<hbm>>) target_semaphore(%arg18 : memref<!tpu.dma_semaphore, #tpu.memory_space<semaphore_mem>>)
    %dma_wait3A_322 = arith.constant 0 : i32
    %dma_wait3A_323 = tpu.memref_slice %arg4[%add3A_297, %dma_wait3A_322] : memref<16384x768xf32, #tpu.memory_space<hbm>> -> memref<32x768xf32, #tpu.memory_space<hbm>>
    %dma_wait3A_324 = arith.constant 0 : i32
    %dma_wait3A_325 = tpu.memref_slice %arg4[%add3A_297, %dma_wait3A_324] : memref<16384x768xf32, #tpu.memory_space<hbm>> -> memref<32x768xf32, #tpu.memory_space<hbm>>
    tpu.wait_dma2 semaphore(%arg17 : memref<!tpu.dma_semaphore, #tpu.memory_space<semaphore_mem>>) src(%arg7 : memref<32x768xf32, #tpu.memory_space<vmem>>) dst(%dma_wait3A_325 : memref<32x768xf32, #tpu.memory_space<hbm>>)
    %dma_start3A_326 = arith.constant 480 : i32
    %dma_start3A_327 = tpu.memref_slice %arg6[%dma_start3A_326] : memref<512xi32, #tpu.memory_space<vmem>> -> memref<32xi32, #tpu.memory_space<vmem>>
    %dma_start3A_328 = arith.constant 0 : i32
    %dma_start3A_329 = arith.constant 0 : i32
    %dma_start3A_330 = tpu.memref_slice %arg3[%dma_start3A_328, %dma_start3A_329] : memref<100000x768xf32, #tpu.memory_space<hbm>> -> memref<100000x768xf32, #tpu.memory_space<hbm>>
    tpu.enqueue_indirect_dma source(%dma_start3A_330 : memref<100000x768xf32, #tpu.memory_space<hbm>>) target(%arg7 : memref<32x768xf32, #tpu.memory_space<vmem>>) offsets(%dma_start3A_327 : memref<32xi32, #tpu.memory_space<vmem>>) semaphore(%arg12 : memref<!tpu.dma_semaphore, #tpu.memory_space<semaphore_mem>>)
    %dma_wait3A_331 = arith.constant 384 : i32
    %dma_wait3A_332 = tpu.memref_slice %arg6[%dma_wait3A_331] : memref<512xi32, #tpu.memory_space<vmem>> -> memref<32xi32, #tpu.memory_space<vmem>>
    %dma_wait3A_333 = arith.constant 0 : i32
    %dma_wait3A_334 = arith.constant 0 : i32
    %dma_wait3A_335 = tpu.memref_slice %arg3[%dma_wait3A_333, %dma_wait3A_334] : memref<100000x768xf32, #tpu.memory_space<hbm>> -> memref<100000x768xf32, #tpu.memory_space<hbm>>
    tpu.wait_indirect_dma semaphore(%arg14 : memref<!tpu.dma_semaphore, #tpu.memory_space<semaphore_mem>>) src(%dma_wait3A_335 : memref<100000x768xf32, #tpu.memory_space<hbm>>) dst(%arg9 : memref<32x768xf32, #tpu.memory_space<vmem>>)
    %add3A_336 = arith.constant 384 : i32
    %add3A_337 = arith.addi %mul3A_2, %add3A_336 : i32
    %dma_start3A_338 = arith.constant 0 : i32
    %dma_start3A_339 = tpu.memref_slice %arg4[%add3A_337, %dma_start3A_338] : memref<16384x768xf32, #tpu.memory_space<hbm>> -> memref<32x768xf32, #tpu.memory_space<hbm>>
    %dma_start3A_340 = arith.constant 0 : i32
    %dma_start3A_341 = tpu.memref_slice %arg4[%add3A_337, %dma_start3A_340] : memref<16384x768xf32, #tpu.memory_space<hbm>> -> memref<32x768xf32, #tpu.memory_space<hbm>>
    tpu.enqueue_dma source(%arg9 : memref<32x768xf32, #tpu.memory_space<vmem>>) target(%dma_start3A_341 : memref<32x768xf32, #tpu.memory_space<hbm>>) target_semaphore(%arg19 : memref<!tpu.dma_semaphore, #tpu.memory_space<semaphore_mem>>)
    %dma_wait3A_342 = arith.constant 416 : i32
    %dma_wait3A_343 = tpu.memref_slice %arg6[%dma_wait3A_342] : memref<512xi32, #tpu.memory_space<vmem>> -> memref<32xi32, #tpu.memory_space<vmem>>
    %dma_wait3A_344 = arith.constant 0 : i32
    %dma_wait3A_345 = arith.constant 0 : i32
    %dma_wait3A_346 = tpu.memref_slice %arg3[%dma_wait3A_344, %dma_wait3A_345] : memref<100000x768xf32, #tpu.memory_space<hbm>> -> memref<100000x768xf32, #tpu.memory_space<hbm>>
    tpu.wait_indirect_dma semaphore(%arg15 : memref<!tpu.dma_semaphore, #tpu.memory_space<semaphore_mem>>) src(%dma_wait3A_346 : memref<100000x768xf32, #tpu.memory_space<hbm>>) dst(%arg10 : memref<32x768xf32, #tpu.memory_space<vmem>>)
    %add3A_347 = arith.constant 416 : i32
    %add3A_348 = arith.addi %mul3A_2, %add3A_347 : i32
    %dma_start3A_349 = arith.constant 0 : i32
    %dma_start3A_350 = tpu.memref_slice %arg4[%add3A_348, %dma_start3A_349] : memref<16384x768xf32, #tpu.memory_space<hbm>> -> memref<32x768xf32, #tpu.memory_space<hbm>>
    %dma_start3A_351 = arith.constant 0 : i32
    %dma_start3A_352 = tpu.memref_slice %arg4[%add3A_348, %dma_start3A_351] : memref<16384x768xf32, #tpu.memory_space<hbm>> -> memref<32x768xf32, #tpu.memory_space<hbm>>
    tpu.enqueue_dma source(%arg10 : memref<32x768xf32, #tpu.memory_space<vmem>>) target(%dma_start3A_352 : memref<32x768xf32, #tpu.memory_space<hbm>>) target_semaphore(%arg20 : memref<!tpu.dma_semaphore, #tpu.memory_space<semaphore_mem>>)
    %dma_wait3A_353 = arith.constant 448 : i32
    %dma_wait3A_354 = tpu.memref_slice %arg6[%dma_wait3A_353] : memref<512xi32, #tpu.memory_space<vmem>> -> memref<32xi32, #tpu.memory_space<vmem>>
    %dma_wait3A_355 = arith.constant 0 : i32
    %dma_wait3A_356 = arith.constant 0 : i32
    %dma_wait3A_357 = tpu.memref_slice %arg3[%dma_wait3A_355, %dma_wait3A_356] : memref<100000x768xf32, #tpu.memory_space<hbm>> -> memref<100000x768xf32, #tpu.memory_space<hbm>>
    tpu.wait_indirect_dma semaphore(%arg16 : memref<!tpu.dma_semaphore, #tpu.memory_space<semaphore_mem>>) src(%dma_wait3A_357 : memref<100000x768xf32, #tpu.memory_space<hbm>>) dst(%arg11 : memref<32x768xf32, #tpu.memory_space<vmem>>)
    %add3A_358 = arith.constant 448 : i32
    %add3A_359 = arith.addi %mul3A_2, %add3A_358 : i32
    %dma_start3A_360 = arith.constant 0 : i32
    %dma_start3A_361 = tpu.memref_slice %arg4[%add3A_359, %dma_start3A_360] : memref<16384x768xf32, #tpu.memory_space<hbm>> -> memref<32x768xf32, #tpu.memory_space<hbm>>
    %dma_start3A_362 = arith.constant 0 : i32
    %dma_start3A_363 = tpu.memref_slice %arg4[%add3A_359, %dma_start3A_362] : memref<16384x768xf32, #tpu.memory_space<hbm>> -> memref<32x768xf32, #tpu.memory_space<hbm>>
    tpu.enqueue_dma source(%arg11 : memref<32x768xf32, #tpu.memory_space<vmem>>) target(%dma_start3A_363 : memref<32x768xf32, #tpu.memory_space<hbm>>) target_semaphore(%arg21 : memref<!tpu.dma_semaphore, #tpu.memory_space<semaphore_mem>>)
    %dma_wait3A_364 = arith.constant 480 : i32
    %dma_wait3A_365 = tpu.memref_slice %arg6[%dma_wait3A_364] : memref<512xi32, #tpu.memory_space<vmem>> -> memref<32xi32, #tpu.memory_space<vmem>>
    %dma_wait3A_366 = arith.constant 0 : i32
    %dma_wait3A_367 = arith.constant 0 : i32
    %dma_wait3A_368 = tpu.memref_slice %arg3[%dma_wait3A_366, %dma_wait3A_367] : memref<100000x768xf32, #tpu.memory_space<hbm>> -> memref<100000x768xf32, #tpu.memory_space<hbm>>
    tpu.wait_indirect_dma semaphore(%arg12 : memref<!tpu.dma_semaphore, #tpu.memory_space<semaphore_mem>>) src(%dma_wait3A_368 : memref<100000x768xf32, #tpu.memory_space<hbm>>) dst(%arg7 : memref<32x768xf32, #tpu.memory_space<vmem>>)
    %add3A_369 = arith.constant 480 : i32
    %add3A_370 = arith.addi %mul3A_2, %add3A_369 : i32
    %dma_start3A_371 = arith.constant 0 : i32
    %dma_start3A_372 = tpu.memref_slice %arg4[%add3A_370, %dma_start3A_371] : memref<16384x768xf32, #tpu.memory_space<hbm>> -> memref<32x768xf32, #tpu.memory_space<hbm>>
    %dma_start3A_373 = arith.constant 0 : i32
    %dma_start3A_374 = tpu.memref_slice %arg4[%add3A_370, %dma_start3A_373] : memref<16384x768xf32, #tpu.memory_space<hbm>> -> memref<32x768xf32, #tpu.memory_space<hbm>>
    tpu.enqueue_dma source(%arg7 : memref<32x768xf32, #tpu.memory_space<vmem>>) target(%dma_start3A_374 : memref<32x768xf32, #tpu.memory_space<hbm>>) target_semaphore(%arg17 : memref<!tpu.dma_semaphore, #tpu.memory_space<semaphore_mem>>)
    %dma_wait3A_375 = arith.constant 0 : i32
    %dma_wait3A_376 = tpu.memref_slice %arg4[%add3A_370, %dma_wait3A_375] : memref<16384x768xf32, #tpu.memory_space<hbm>> -> memref<32x768xf32, #tpu.memory_space<hbm>>
    %dma_wait3A_377 = arith.constant 0 : i32
    %dma_wait3A_378 = tpu.memref_slice %arg4[%add3A_370, %dma_wait3A_377] : memref<16384x768xf32, #tpu.memory_space<hbm>> -> memref<32x768xf32, #tpu.memory_space<hbm>>
    tpu.wait_dma2 semaphore(%arg17 : memref<!tpu.dma_semaphore, #tpu.memory_space<semaphore_mem>>) src(%arg7 : memref<32x768xf32, #tpu.memory_space<vmem>>) dst(%dma_wait3A_378 : memref<32x768xf32, #tpu.memory_space<hbm>>)
    %dma_wait3A_379 = arith.constant 0 : i32
    %dma_wait3A_380 = tpu.memref_slice %arg4[%add3A_317, %dma_wait3A_379] : memref<16384x768xf32, #tpu.memory_space<hbm>> -> memref<32x768xf32, #tpu.memory_space<hbm>>
    %dma_wait3A_381 = arith.constant 0 : i32
    %dma_wait3A_382 = tpu.memref_slice %arg4[%add3A_317, %dma_wait3A_381] : memref<16384x768xf32, #tpu.memory_space<hbm>> -> memref<32x768xf32, #tpu.memory_space<hbm>>
    tpu.wait_dma2 semaphore(%arg18 : memref<!tpu.dma_semaphore, #tpu.memory_space<semaphore_mem>>) src(%arg8 : memref<32x768xf32, #tpu.memory_space<vmem>>) dst(%dma_wait3A_382 : memref<32x768xf32, #tpu.memory_space<hbm>>)
    %dma_wait3A_383 = arith.constant 0 : i32
    %dma_wait3A_384 = tpu.memref_slice %arg4[%add3A_337, %dma_wait3A_383] : memref<16384x768xf32, #tpu.memory_space<hbm>> -> memref<32x768xf32, #tpu.memory_space<hbm>>
    %dma_wait3A_385 = arith.constant 0 : i32
    %dma_wait3A_386 = tpu.memref_slice %arg4[%add3A_337, %dma_wait3A_385] : memref<16384x768xf32, #tpu.memory_space<hbm>> -> memref<32x768xf32, #tpu.memory_space<hbm>>
    tpu.wait_dma2 semaphore(%arg19 : memref<!tpu.dma_semaphore, #tpu.memory_space<semaphore_mem>>) src(%arg9 : memref<32x768xf32, #tpu.memory_space<vmem>>) dst(%dma_wait3A_386 : memref<32x768xf32, #tpu.memory_space<hbm>>)
    %dma_wait3A_387 = arith.constant 0 : i32
    %dma_wait3A_388 = tpu.memref_slice %arg4[%add3A_348, %dma_wait3A_387] : memref<16384x768xf32, #tpu.memory_space<hbm>> -> memref<32x768xf32, #tpu.memory_space<hbm>>
    %dma_wait3A_389 = arith.constant 0 : i32
    %dma_wait3A_390 = tpu.memref_slice %arg4[%add3A_348, %dma_wait3A_389] : memref<16384x768xf32, #tpu.memory_space<hbm>> -> memref<32x768xf32, #tpu.memory_space<hbm>>
    tpu.wait_dma2 semaphore(%arg20 : memref<!tpu.dma_semaphore, #tpu.memory_space<semaphore_mem>>) src(%arg10 : memref<32x768xf32, #tpu.memory_space<vmem>>) dst(%dma_wait3A_390 : memref<32x768xf32, #tpu.memory_space<hbm>>)
    %dma_wait3A_391 = arith.constant 0 : i32
    %dma_wait3A_392 = tpu.memref_slice %arg4[%add3A_359, %dma_wait3A_391] : memref<16384x768xf32, #tpu.memory_space<hbm>> -> memref<32x768xf32, #tpu.memory_space<hbm>>
    %dma_wait3A_393 = arith.constant 0 : i32
    %dma_wait3A_394 = tpu.memref_slice %arg4[%add3A_359, %dma_wait3A_393] : memref<16384x768xf32, #tpu.memory_space<hbm>> -> memref<32x768xf32, #tpu.memory_space<hbm>>
    tpu.wait_dma2 semaphore(%arg21 : memref<!tpu.dma_semaphore, #tpu.memory_space<semaphore_mem>>) src(%arg11 : memref<32x768xf32, #tpu.memory_space<vmem>>) dst(%dma_wait3A_394 : memref<32x768xf32, #tpu.memory_space<hbm>>)
    return
  }
}

</mosaic_0001>

<sc_bundles>
// kernel: kernel.3.cloned.1.call-start
scs
__scs_entry_jumppad:
0x0: {  	(pc) =	sbr.rel $0x88, $3  }
0x1: {  	(tag) =	ssettag $0x0;
	lr =	simm.s32 $0x1  }
0x2: {  	[smem:$0x3F9F] =	sst lr;
	_ =	strace $0xD0000000  }
0x3: {  	_ = 	snop  }
0x4: {  	_ = 	snop  }
0x5: {  	_ = 	snop  }
0x6: {  	_ = 	snop  }
0x7: {  	_ = 	snop  }
__scs_overlays_trampoline_lowered:
0x8: {  	[smem:$0x3FAE] =	sst s0  }
0x9: {  	[smem:$0x3FAF] =	sst s1  }
0xa: {  	[smem:$0x3FB0] =	sst s2  }
0xb: {  	[smem:$0x3FB1] =	sst s3  }
0xc: {  	[smem:$0x3FB2] =	sst s4  }
0xd: {  	[smem:$0x3FB3] =	sst s5  }
0xe: {  	[smem:$0x3FB4] =	sst s6  }
0xf: {  	[smem:$0x3FB5] =	sst s7  }
0x10: {  	[smem:$0x3FB6] =	sst s8  }
0x11: {  	[smem:$0x3FB7] =	sst s9;
	s0 =	simm.s32 @!p0 $0x0  }
0x12: {  	s1 =	sld [smem:$0x3F9D];
	s0 =	simm.s32 @p0 $0x1  }
0x13: {  	[smem:$0x3FB8] =	sst s0;
	s0 =	simm.s32 @!p1 $0x0  }
0x14: {  	s2 =	sld [smem:$0x3F9C];
	s0 =	simm.s32 @p1 $0x1  }
0x15: {  	[smem:$0x3FB9] =	sst s0;
	s0 =	simm.s32 @!p2 $0x0  }
0x16: {  	s3 =	sld [smem:$0x3FDB];
	s0 =	simm.s32 @p2 $0x1  }
0x17: {  	s4 =	simm.s32 $0x1BF5;
	[smem:$0x3FBB] =	sst s0  }
0x18: {  	s0 =	sld [smem:$0x3F9E];
	_ =	swait.ge [sflag:s4], $0x0  }
0x19: {  	s7 =	sld [smem:$0x3F9F]  }
0x1a: {  	s8 =	sadd.s32 $0xFFFFE003, lr  }
0x1b: {  	s9 =	sadd.s32 $0xFFFFFEF7, lr;
	s5 =	simm.s32 $0xFFFFFFFF;
	p2 =	slt.u32 s8, $0xFFFFF086  }
0x1c: {  	p1 =	slt.u32 s9, $0xF7A;
	s5 =	simm.s32 @!p2 $0x0  }
0x1d: {  	s5 =	simm.s32 @p1 $0x1;
	p0 =	seq.s32 s7, s2  }
0x1e: {  	s7 =	smul.u32 @!p0 $0xF7A, s2;
	p2 =	seq.s32 @!p0 s5, $0x0  }
0x1f: {  	s9 =	smul.u32 $0xF7A, s1;
	s8 =	simm.s32 @!p0 $0x1BF5;
	p2 =	por !p2, p0  }
0x20: {  	[sflag:s8] =	ssyncset.s32 @!p0 $0xFFFFF086;
	s6 =	sadd.s32 @!p0 s3, s7;
	s7 =	simm.s32 @!p0 $0x108  }
0x21: {  	s3 =	sadd.s32 s3, s9;
	s6 =	sadd.s32 @!p0 $0x88, s6;
	s7 =	simm.s32 @p2 $0x1082  }
0x22: {  	[simem:s7], [sflag:s8] =	dma.local @!p0 [hbm:s6], $0xF7A  }
0x23: {  	s9 =	sor.u32 $0xD0000000, s2;
	s6 =	simm.s32 $0x108;
	_ =	swait.ge @!p0 [sflag:s8], $0x0  }
0x24: {  	s3 =	sadd.s32 $0x88, s3;
	s6 =	simm.s32 @!p1 $0x1082;
	[sflag:s4] =	ssyncset.s32 $0xFFFFF086  }
0x25: {  	[simem:s6], [sflag:s4] =	dma.local [hbm:s3], $0xF7A  }
0x26: {  	[smem:$0x3F9F] =	sst s1;
	(tag) =	ssettag s2;
	_ =	strace s9  }
0x27: {  	s1 =	sld [smem:$0x3FAF]  }
0x28: {  	s2 =	sld [smem:$0x3FB0]  }
0x29: {  	s4 =	sld [smem:$0x3FB2]  }
0x2a: {  	p0 =	seq.s32 s5, $0x0;
	s5 =	sld [smem:$0x3FB3]  }
0x2b: {  	s6 =	sld [smem:$0x3FB4]  }
0x2c: {  	s7 =	sld [smem:$0x3FB5]  }
0x2d: {  	s3 =	simm.s32 $0x108;
	s8 =	sld [smem:$0x3FB6]  }
0x2e: {  	s3 =	simm.s32 @!p0 $0x1082;
	s9 =	sld [smem:$0x3FB7]  }
0x2f: {  	lr =	sadd.s32 s0, s3;
	s0 =	sld [smem:$0x3FAE]  }
0x30: {  	s3 =	sld [smem:$0x3FB1]  }
0x31: {  	[smem:$0x3FBA] =	sst s10  }
0x32: {  	s10 =	sld [smem:$0x3FB8];
	_ =	sdelay $0x3  }
0x33: {  	p0 =	seq.s32 s10, $0x1;
	s10 =	sld [smem:$0x3FBA];
	_ =	sdelay $0x3  }
0x34: {  	[smem:$0x3FBA] =	sst s10  }
0x35: {  	s10 =	sld [smem:$0x3FB9];
	_ =	sdelay $0x3  }
0x36: {  	p1 =	seq.s32 s10, $0x1;
	s10 =	sld [smem:$0x3FBA];
	_ =	sdelay $0x3  }
0x37: {  	[smem:$0x3FBA] =	sst s10  }
0x38: {  	s10 =	sld [smem:$0x3FBB]  }
0x39: {  	_ = 	snop;
	(pc) =	sbr.ind lr, $3  }
0x3a: {  	_ = 	snop  }
0x3b: {  	_ = 	snop  }
0x3c: {  	p2 =	seq.s32 s10, $0x1;
	s10 =	sld [smem:$0x3FBA]  }
0x3d: {  	_ =	shalt  }
0x3e: {  	_ =	shalt  }
0x3f: {  	_ =	shalt  }
0x40: {  	_ =	shalt  }
0x41: {  	_ =	shalt  }
0x42: {  	_ =	shalt  }
0x43: {  	_ =	shalt  }
0x44: {  	_ =	shalt  }
0x45: {  	_ =	shalt  }
0x46: {  	_ =	shalt  }
0x47: {  	_ =	shalt  }
0x48: {  	_ =	shalt  }
0x49: {  	_ =	shalt  }
0x4a: {  	_ =	shalt  }
0x4b: {  	_ =	shalt  }
0x4c: {  	_ =	shalt  }
0x4d: {  	_ =	shalt  }
0x4e: {  	_ =	shalt  }
0x4f: {  	_ =	shalt  }
0x50: {  	_ =	shalt  }
0x51: {  	_ =	shalt  }
0x52: {  	_ =	shalt  }
0x53: {  	_ =	shalt  }
0x54: {  	_ =	shalt  }
0x55: {  	_ =	shalt  }
0x56: {  	_ =	shalt  }
0x57: {  	_ =	shalt  }
0x58: {  	_ =	shalt  }
0x59: {  	_ =	shalt  }
0x5a: {  	_ =	shalt  }
0x5b: {  	_ =	shalt  }
0x5c: {  	_ =	shalt  }
0x5d: {  	_ =	shalt  }
0x5e: {  	_ =	shalt  }
0x5f: {  	_ =	shalt  }
0x60: {  	_ =	shalt  }
0x61: {  	_ =	shalt  }
0x62: {  	_ =	shalt  }
0x63: {  	_ =	shalt  }
0x64: {  	_ =	shalt  }
0x65: {  	_ =	shalt  }
0x66: {  	_ =	shalt  }
0x67: {  	_ =	shalt  }
0x68: {  	_ =	shalt  }
0x69: {  	_ =	shalt  }
0x6a: {  	_ =	shalt  }
0x6b: {  	_ =	shalt  }
0x6c: {  	_ =	shalt  }
0x6d: {  	_ =	shalt  }
0x6e: {  	_ =	shalt  }
0x6f: {  	_ =	shalt  }
0x70: {  	_ =	shalt  }
0x71: {  	_ =	shalt  }
0x72: {  	_ =	shalt  }
0x73: {  	_ =	shalt  }
0x74: {  	_ =	shalt  }
0x75: {  	_ =	shalt  }
0x76: {  	_ =	shalt  }
0x77: {  	_ =	shalt  }
0x78: {  	_ =	shalt  }
0x79: {  	_ =	shalt  }
0x7a: {  	_ =	shalt  }
0x7b: {  	_ =	shalt  }
0x7c: {  	_ =	shalt  }
0x7d: {  	_ =	shalt  }
0x7e: {  	_ =	shalt  }
0x7f: {  	_ =	shalt  }
0x80: {  	_ =	shalt  }
0x81: {  	_ =	shalt  }
0x82: {  	_ =	shalt  }
0x83: {  	_ =	shalt  }
0x84: {  	_ =	shalt  }
0x85: {  	_ =	shalt  }
0x86: {  	_ =	shalt  }
0x87: {  	_ =	shalt  }
.Lfunc_end0:
.L_simem_size_0:
called_computation_lowered:
.L_overlay_start_0:
0x88: {  	s2 =	sld [smem:$0x3FD9]  }
0x89: {  	s3 =	sld [smem:$0x3FFE];
	_ =	sdelay $0x1  }
0x8a: {  	s1 =	srdreg.scid  }
0x8b: {  	s0 =	sand.u32 $0x1, s1  }
0x8c: {  	s15 =	sshll.u32 s0, $0xA;
	s2 =	sadd.s32 s3, s2  }
0x8d: {  	s2 =	sadd.s32 s2, s15  }
0x8e: {  	[smem:$0x3FC6] =	sst s2  }
0x8f: {  	_ = 	snop  }
0x90: {  	s2 =	sld [smem:$0x3FD0];
	_ =	sdelay $0x1  }
0x91: {  	s16 =	sld [smem:$0x3FC9]  }
0x92: {  	s5 =	simm.s32 $0xA;
	s6 =	simm.s32 $0x10;
	s4 =	sld [smem:$0x3FC8]  }
0x93: {  	[smem:s6], [sflag:s5] =	dma.local [hbm:s2], $0x1  }
0x94: {  	_ =	swait.eq [sflag:s5], $0x1  }
0x95: {  	[sflag:s5] =	ssyncset.done $0x0  }
0x96: {  	s17 =	sld [smem:$0x10];
	[sflag:s5] =	ssyncadd.s32 $0xFFFFFFFF  }
0x97: {  	s18 =	sld [smem:$0x11];
	(tm) =	ssettm $0x1  }
0x98: {  	s19 =	sld [smem:$0x3FFB];
	_ =	sdelay $0x3  }
0x99: {  	_ =	strace s19  }
0x9a: {  	s6 =	sld [smem:$0x3FFC];
	_ =	sdelay $0x3  }
0x9b: {  	_ =	strace s6  }
0x9c: {  	s6 =	sld [smem:$0x3FFD];
	_ =	sdelay $0x3  }
0x9d: {  	_ =	strace s6  }
0x9e: {  	_ =	strace $0x8FFFFFFF  }
0x9f: {  	s20 =	sld [smem:$0x3FDB];
	_ =	sdelay $0x1  }
0xa0: {  	s7 =	simm.s32 $_scs_section_size  }
0xa1: {  	s8 =	simm.s32 $_size__tile_overlayer_lowered;
	s9 =	simm.s32 $_tile_overlayer_lowered  }
0xa2: {  	s23 =	simm.s32 $0x1BFF;
	s22 =	sshll.u32 s9, $0x1;
	s6 =	sadd.s32 s7, s20  }
0xa3: {  	s10 =	simm.s32 $0x0;
	s21 =	sshll.u32 s8, $0x1;
	s8 =	sadd.s32 s22, s6  }
0xa4: {  	[timem:s10], [sflag:s23] =	dma.local [hbm:s8], s21  }
0xa5: {  	_ =	swait.ge [sflag:s23], s21  }
0xa6: {  	s7 =	ssub.s32 $0x0, s21;
	[sflag:s23] =	ssyncset.done $0x0  }
0xa7: {  	[sflag:s23] =	ssyncadd.s32 s7;
	_ =	sdelay $0x1  }
0xa8: {  	s24 =	simm.s32 $0x1B8B  }
0xa9: {  	_ =	swait.ge [sflag:s24], $0x1  }
0xaa: {  	[sflag:s24] =	ssyncset.done $0x0  }
0xab: {  	s25 =	simm.s32 $0x1B8E;
	[sflag:s24] =	ssyncadd.s32 $0xFFFFFFFF  }
0xac: {  	s26 =	simm.s32 $execute0_lowered;
	[smem:$0x3FD2] =	sst s25  }
0xad: {  	s7 =	sshll.u32 s26, $0x1;
	_ =	strace $0x80000046;
	[dreg:$0x1] =	wrdreg $0xFFFFFFFF  }
0xae: {  	s28 =	simm.s32 $_size_execute0_lowered;
	s6 =	sadd.s32 s6, s7;
	[dreg:$0x0] =	wrdreg $0x0  }
0xaf: {  	s7 =	sshll.u32 s28, $0x1;
	[dreg:$0x2] =	wrdreg s6  }
0xb0: {  	[dreg:$0x3] =	wrdreg s7  }
0xb1: {  	[dreg:$0x4] =	wrdreg $0xC0  }
0xb2: {  	_ =	task [dreg:s10], $0x5FFFF  }
0xb3: {  	[dreg:$0x1] =	wrdreg $0xFFFFFFFF  }
0xb4: {  	[dreg:$0x0] =	wrdreg $0x60  }
0xb5: {  	[dreg:$0x2] =	wrdreg s16  }
0xb6: {  	[dreg:$0x3] =	wrdreg s4  }
0xb7: {  	[dreg:$0x4] =	wrdreg s18  }
0xb8: {  	[dreg:$0x5] =	wrdreg s17  }
0xb9: {  	[dreg:$0x6] =	wrdreg $0x9  }
0xba: {  	_ =	task.clear_ibuf [dreg:s10], $0x7FFFF;
	_ =	strace $0x90000046  }
0xbb: {  	s29 =	simm.s32 $0x9;
	_ =	strace $0x80000048  }
0xbc: {  	_ =	swait.ge [sflag:s29], $0x1  }
0xbd: {  	[sflag:s29] =	ssyncadd.s32 $0xFFFFFFFF  }
0xbe: {  	_ =	strace $0x90000048  }
0xbf: {  	_ =	sfence  }
0xc0: {  	s30 =	sld [smem:$0x0];
	_ =	sdelay $0x2  }
0xc1: {  	s31 =	sshll.u32 s1, $0xD;
	s1 =	sshrl.u32 s1, $0x2  }
0xc2: {  	s3 =	sand.u32 $0x4000, s31;
	s1 =	sadd.s32 s1, s30  }
0xc3: {  	s0 =	sor.u32 s3, s0;
	s1 =	sshll.u32 s1, $0x11  }
0xc4: {  	s0 =	sor.u32 s1, s0  }
0xc5: {  	s0 =	sadd.s32 $0x8F2B, s0  }
0xc6: {  	[sflag:s0] =	ssyncadd.remote.s32 $0x1  }
0xc7: {  	_ =	sfence.sel $0xFFFF  }
0xc8: {  	[dreg:$0x0] =	wrdreg $0xFFFFFFFF;
	(pc) =	sbr.abs _section_cstart, $3  }
0xc9: {  	[dreg:$0x1] =	wrdreg $0xFFFFFFFF  }
0xca: {  	_ =	task.clear_ibuf [dreg:s10], $0x2FFFF;
	_ =	strace $0x9FFFFFFF  }
0xcb: {  	(tm) =	ssettm $0x7FFFFFFF  }
tec
execute0_lowered:
.L_overlay_start_1:
0x0: {  	(tag) =	ssettag $0x1  }
0x1: {  	s0 =	rddreg [dreg:$0x0]  }
0x2: {  	s2 =	srdreg.scid;
	s8 =	stileid.u32  }
0x3: {  	s1 =	rddreg [dreg:$0x1];
	s2 =	sand.u32 $0x1, s2;
	s3 =	sshll.u32 s8, $0x1  }
0x4: {  	s4 =	rddreg [dreg:$0x2];
	s5 =	sor.u32 s2, s3  }
0x5: {  	s8 =	sshll.u32 s8, $0x2;
	s7 =	sshll.u32 s5, $0x8;
	s26 =	smul.u32 $0xC000, s5  }
0x6: {  	s6 =	rddreg [dreg:$0x3];
	s3 =	simm.s32 $0x0;
	s7 =	sor.u32 s8, s7  }
0x7: {  	[smem:$0x7FF] =	sst s3;
	s7 =	sand.u32 $0x730, s7;
	s10 =	sadd.s32 s4, s26  }
0x8: {  	_ =	strace $0x80000047;
	s0 =	sadd.s32 s0, s7;
	[dreg:$0x16] =	wrdreg s10  }
0x9: {  	s9 =	sadd.s32 s6, s7;
	[dreg:$0x5] =	wrdreg s0  }
0xa: {  	s31 =	simm.s32 $0x7;
	s11 =	sadd.s32 $0xC00, s10;
	[dreg:$0x6] =	wrdreg s9  }
0xb: {  	s5 =	smul.u32 $0x60000, s5;
	s12 =	sadd.s32 $0x1800, s10;
	[dreg:$0x7] =	wrdreg s11  }
0xc: {  	s28 =	simm.s32 $0x8;
	s13 =	sadd.s32 $0x2400, s10;
	[dreg:$0x8] =	wrdreg s12  }
0xd: {  	s5 =	sshrl.u32 s5, $0x3;
	s14 =	sadd.s32 $0x3000, s10;
	[dreg:$0x9] =	wrdreg s13  }
0xe: {  	s15 =	sadd.s32 $0x3C00, s10;
	s4 =	sadd.s32 s4, s5;
	[dreg:$0xa] =	wrdreg s14  }
0xf: {  	s29 =	simm.s32 $0x5;
	[dreg:$0xb] =	wrdreg s15;
	s16 =	sadd.s32 $0x4800, s4  }
0x10: {  	s30 =	simm.s32 $0x9;
	s17 =	sadd.s32 $0x5400, s4;
	[dreg:$0xc] =	wrdreg s16  }
0x11: {  	s2 =	ssub.s32 $0x2, s2;
	s18 =	sadd.s32 $0x6000, s4;
	[dreg:$0xd] =	wrdreg s17  }
0x12: {  	s23 =	sshrl.u32 s2, $0x1;
	s19 =	sadd.s32 $0x6C00, s4;
	[dreg:$0xe] =	wrdreg s18  }
0x13: {  	s2 =	ssub.s32 s2, s23;
	s20 =	sadd.s32 $0x7800, s4;
	[dreg:$0xf] =	wrdreg s19  }
0x14: {  	s8 =	simm.s32 $0x3;
	s21 =	sadd.s32 $0x8400, s4;
	[dreg:$0x10] =	wrdreg s20  }
0x15: {  	s5 =	sadd.s32 $0x100, s1;
	s22 =	sadd.s32 $0x9000, s4;
	[dreg:$0x11] =	wrdreg s21  }
0x16: {  	s6 =	sadd.s32 $0x200, s1;
	s24 =	sadd.s32 $0x9C00, s4;
	[dreg:$0x12] =	wrdreg s22  }
0x17: {  	s7 =	smax.u32 s2, $0x1;
	s25 =	sadd.s32 $0xA800, s4;
	[dreg:$0x13] =	wrdreg s24  }
0x18: {  	v2 =	vlaneseq.u32;
	s2 =	simm.s32 $0x6;
	s26 =	sadd.s32 $0xB400, s4;
	[dreg:$0x14] =	wrdreg s25  }
0x19: {  	vm0 =	vmmov $0xffff;
	v1 =	vshrl.u32 v2, $0x3;
	s9 =	simm.s32 $0x200;
	s11 =	simm.s32 $0xA;
	[dreg:$0x15] =	wrdreg s26  }
0x1a: {  	v0 =	vand.u32 $0x7, v2;
	v2 =	vor.u32 $0x8, v2;
	v1 =	vmul.u32 $0x8, v1;
	s25 =	simm.s32 $0x1;
	s24 =	simm.s32 $0x4;
	s22 =	simm.s32 $0x18200  }
.LBB2_1:
0x1b: {  	s12 =	rddreg [dreg:$0x5];
	s13 =	simm.s32 $0x80;
	s10 =	simm.s32 $0xB  }
0x1c: {  	[tilespmem:s3], [sflag:$0xB] =	stream.strided.gather [hbm4b:s12+s13], $0x200, s9, s13, $0x38;
	[tilespmem:$0x1E200] =	vst v63  }
0x1d: {  	_ =	swait.ge [sflag:s10], $0x200  }
0x1e: {  	[sflag:s10] =	ssyncset.done $0x0  }
0x1f: {  	s14 =	rddreg [dreg:$0x6];
	[sflag:s10] =	ssyncadd.s32 $0xFFFFFE00  }
0x20: {  	[hbm4b:s14+s13] =	stream.strided.scatter [tilespmem:s3], [sflag:$0xB], $0x200, s9, s13, $0x38;
	[tilespmem:$0x1E200] =	vst v63  }
0x21: {  	_ =	swait.ge [sflag:s10], $0x200  }
0x22: {  	[sflag:s10] =	ssyncset.done $0x0  }
0x23: {  	[sflag:s10] =	ssyncadd.s32 $0xFFFFFE00  }
0x24: {  	v3 =	vld [tilespmem:$0x0];
	_ =	sdelay $0x4  }
0x25: {  	v4 =	vshrl.u32 v3, $0x3  }
0x26: {  	v4 =	vmul.u32 $0x30, v4  }
0x27: {  	v3 =	vand.u32 $0x7, v3  }
0x28: {  	v3 =	vor.u32 v3, v4  }
0x29: {  	v4 =	vperm.xlane v3, v0;
	_ =	sdelay $0x1  }
0x2a: {  	v4 =	vadd.s32 v1, v4;
	_ =	sdelay $0x3  }
0x2b: {  	v3 =	vperm.xlane v3, v2  }
0x2c: {  	[tilespmem:s9], [sflag:$0x1] =	stream.indirect_vreg.gather [hbm4b:s1+s3], $0x80, v4, vm0, $0xb8;
	[tilespmem:$0x1E200] =	vst v63  }
0x2d: {  	s4 =	simm.s32 $0xA00;
	v3 =	vadd.s32 v1, v3  }
0x2e: {  	[tilespmem:s4], [sflag:$0x1] =	stream.indirect_vreg.gather [hbm4b:s5+s3], $0x80, v4, vm0, $0xb8;
	[tilespmem:$0x1E200] =	vst v63  }
0x2f: {  	s15 =	simm.s32 $0x1200  }
0x30: {  	[tilespmem:s15], [sflag:$0x1] =	stream.indirect_vreg.gather [hbm4b:s6+s3], $0x80, v4, vm0, $0xb8;
	[tilespmem:$0x1E200] =	vst v63  }
0x31: {  	s16 =	simm.s32 $0x1A00  }
0x32: {  	[tilespmem:s16], [sflag:$0x1] =	stream.indirect_vreg.gather [hbm4b:s1+s3], $0x80, v3, vm0, $0xb8;
	[tilespmem:$0x1E200] =	vst v63  }
0x33: {  	s17 =	simm.s32 $0x2200  }
0x34: {  	[tilespmem:s17], [sflag:$0x1] =	stream.indirect_vreg.gather [hbm4b:s5+s3], $0x80, v3, vm0, $0xb8;
	[tilespmem:$0x1E200] =	vst v63  }
0x35: {  	s18 =	simm.s32 $0x2A00  }
0x36: {  	[tilespmem:s18], [sflag:$0x1] =	stream.indirect_vreg.gather [hbm4b:s6+s3], $0x80, v3, vm0, $0xb8;
	[tilespmem:$0x1E200] =	vst v63  }
0x37: {  	v3 =	vld [tilespmem:$0x10];
	_ =	sdelay $0x4  }
0x38: {  	v33 =	vshrl.u32 v3, $0x3  }
0x39: {  	v4 =	vmul.u32 $0x30, v33  }
0x3a: {  	v3 =	vand.u32 $0x7, v3  }
0x3b: {  	v3 =	vor.u32 v3, v4  }
0x3c: {  	v4 =	vperm.xlane v3, v0;
	_ =	sdelay $0x1  }
0x3d: {  	v4 =	vadd.s32 v1, v4;
	_ =	sdelay $0x3  }
0x3e: {  	s19 =	simm.s32 $0x3200;
	v3 =	vperm.xlane v3, v2  }
0x3f: {  	[tilespmem:s19], [sflag:$0x1] =	stream.indirect_vreg.gather [hbm4b:s1+s3], $0x80, v4, vm0, $0xb8;
	[tilespmem:$0x1E200] =	vst v63  }
0x40: {  	s20 =	simm.s32 $0x3A00;
	v3 =	vadd.s32 v1, v3  }
0x41: {  	[tilespmem:s20], [sflag:$0x1] =	stream.indirect_vreg.gather [hbm4b:s5+s3], $0x80, v4, vm0, $0xb8;
	[tilespmem:$0x1E200] =	vst v63  }
0x42: {  	s21 =	simm.s32 $0x4200  }
0x43: {  	[tilespmem:s21], [sflag:$0x1] =	stream.indirect_vreg.gather [hbm4b:s6+s3], $0x80, v4, vm0, $0xb8;
	[tilespmem:$0x1E200] =	vst v63  }
0x44: {  	s23 =	simm.s32 $0x4A00  }
0x45: {  	[tilespmem:s23], [sflag:$0x1] =	stream.indirect_vreg.gather [hbm4b:s1+s3], $0x80, v3, vm0, $0xb8;
	[tilespmem:$0x1E200] =	vst v63  }
0x46: {  	s26 =	simm.s32 $0x5200  }
0x47: {  	[tilespmem:s26], [sflag:$0x1] =	stream.indirect_vreg.gather [hbm4b:s5+s3], $0x80, v3, vm0, $0xb8;
	[tilespmem:$0x1E200] =	vst v63  }
0x48: {  	s0 =	simm.s32 $0x5A00  }
0x49: {  	[tilespmem:s0], [sflag:$0x1] =	stream.indirect_vreg.gather [hbm4b:s6+s3], $0x80, v3, vm0, $0xb8;
	[tilespmem:$0x1E200] =	vst v63  }
0x4a: {  	v3 =	vld [tilespmem:$0x20];
	_ =	sdelay $0x4  }
0x4b: {  	v34 =	vshrl.u32 v3, $0x3  }
0x4c: {  	v4 =	vmul.u32 $0x30, v34  }
0x4d: {  	v3 =	vand.u32 $0x7, v3  }
0x4e: {  	v3 =	vor.u32 v3, v4  }
0x4f: {  	v4 =	vperm.xlane v3, v0;
	_ =	sdelay $0x1  }
0x50: {  	v4 =	vadd.s32 v1, v4;
	_ =	sdelay $0x3  }
0x51: {  	s13 =	simm.s32 $0x6200;
	v3 =	vperm.xlane v3, v2  }
0x52: {  	[tilespmem:s13], [sflag:$0x2] =	stream.indirect_vreg.gather [hbm4b:s1+s3], $0x80, v4, vm0, $0xb8;
	[tilespmem:$0x1E200] =	vst v63  }
0x53: {  	s0 =	simm.s32 $0x6A00;
	v3 =	vadd.s32 v1, v3  }
0x54: {  	[tilespmem:s0], [sflag:$0x2] =	stream.indirect_vreg.gather [hbm4b:s5+s3], $0x80, v4, vm0, $0xb8;
	[tilespmem:$0x1E200] =	vst v63  }
0x55: {  	s4 =	simm.s32 $0x7200  }
0x56: {  	[tilespmem:s4], [sflag:$0x2] =	stream.indirect_vreg.gather [hbm4b:s6+s3], $0x80, v4, vm0, $0xb8;
	[tilespmem:$0x1E200] =	vst v63  }
0x57: {  	s12 =	simm.s32 $0x7A00  }
0x58: {  	[tilespmem:s12], [sflag:$0x2] =	stream.indirect_vreg.gather [hbm4b:s1+s3], $0x80, v3, vm0, $0xb8;
	[tilespmem:$0x1E200] =	vst v63  }
0x59: {  	s14 =	simm.s32 $0x8200  }
0x5a: {  	[tilespmem:s14], [sflag:$0x2] =	stream.indirect_vreg.gather [hbm4b:s5+s3], $0x80, v3, vm0, $0xb8;
	[tilespmem:$0x1E200] =	vst v63  }
0x5b: {  	s15 =	simm.s32 $0x8A00  }
0x5c: {  	[tilespmem:s15], [sflag:$0x2] =	stream.indirect_vreg.gather [hbm4b:s6+s3], $0x80, v3, vm0, $0xb8;
	[tilespmem:$0x1E200] =	vst v63  }
0x5d: {  	v3 =	vld [tilespmem:$0x30];
	_ =	sdelay $0x4  }
0x5e: {  	v35 =	vshrl.u32 v3, $0x3  }
0x5f: {  	v4 =	vmul.u32 $0x30, v35  }
0x60: {  	v3 =	vand.u32 $0x7, v3  }
0x61: {  	v3 =	vor.u32 v3, v4  }
0x62: {  	v4 =	vperm.xlane v3, v0;
	_ =	sdelay $0x1  }
0x63: {  	v4 =	vadd.s32 v1, v4;
	_ =	sdelay $0x3  }
0x64: {  	s16 =	simm.s32 $0x9200;
	v3 =	vperm.xlane v3, v2  }
0x65: {  	[tilespmem:s16], [sflag:$0x2] =	stream.indirect_vreg.gather [hbm4b:s1+s3], $0x80, v4, vm0, $0xb8;
	[tilespmem:$0x1E200] =	vst v63  }
0x66: {  	s17 =	simm.s32 $0x9A00;
	v3 =	vadd.s32 v1, v3  }
0x67: {  	[tilespmem:s17], [sflag:$0x2] =	stream.indirect_vreg.gather [hbm4b:s5+s3], $0x80, v4, vm0, $0xb8;
	[tilespmem:$0x1E200] =	vst v63  }
0x68: {  	s20 =	simm.s32 $0xA200  }
0x69: {  	[tilespmem:s20], [sflag:$0x2] =	stream.indirect_vreg.gather [hbm4b:s6+s3], $0x80, v4, vm0, $0xb8;
	[tilespmem:$0x1E200] =	vst v63  }
0x6a: {  	s21 =	simm.s32 $0xAA00  }
0x6b: {  	[tilespmem:s21], [sflag:$0x2] =	stream.indirect_vreg.gather [hbm4b:s1+s3], $0x80, v3, vm0, $0xb8;
	[tilespmem:$0x1E200] =	vst v63  }
0x6c: {  	s23 =	simm.s32 $0xB200  }
0x6d: {  	[tilespmem:s23], [sflag:$0x2] =	stream.indirect_vreg.gather [hbm4b:s5+s3], $0x80, v3, vm0, $0xb8;
	[tilespmem:$0x1E200] =	vst v63  }
0x6e: {  	s4 =	simm.s32 $0xBA00  }
0x6f: {  	[tilespmem:s4], [sflag:$0x2] =	stream.indirect_vreg.gather [hbm4b:s6+s3], $0x80, v3, vm0, $0xb8;
	[tilespmem:$0x1E200] =	vst v63  }
0x70: {  	v3 =	vld [tilespmem:$0x40];
	_ =	sdelay $0x4  }
0x71: {  	v36 =	vshrl.u32 v3, $0x3  }
0x72: {  	v4 =	vmul.u32 $0x30, v36  }
0x73: {  	v3 =	vand.u32 $0x7, v3  }
0x74: {  	v3 =	vor.u32 v3, v4  }
0x75: {  	v4 =	vperm.xlane v3, v0;
	_ =	sdelay $0x1  }
0x76: {  	v4 =	vadd.s32 v1, v4;
	_ =	sdelay $0x3  }
0x77: {  	s12 =	simm.s32 $0xC200;
	v3 =	vperm.xlane v3, v2  }
0x78: {  	[tilespmem:s12], [sflag:$0x3] =	stream.indirect_vreg.gather [hbm4b:s1+s3], $0x80, v4, vm0, $0xb8;
	[tilespmem:$0x1E200] =	vst v63  }
0x79: {  	s14 =	simm.s32 $0xCA00;
	v3 =	vadd.s32 v1, v3  }
0x7a: {  	[tilespmem:s14], [sflag:$0x3] =	stream.indirect_vreg.gather [hbm4b:s5+s3], $0x80, v4, vm0, $0xb8;
	[tilespmem:$0x1E200] =	vst v63  }
0x7b: {  	s15 =	simm.s32 $0xD200  }
0x7c: {  	[tilespmem:s15], [sflag:$0x3] =	stream.indirect_vreg.gather [hbm4b:s6+s3], $0x80, v4, vm0, $0xb8;
	[tilespmem:$0x1E200] =	vst v63  }
0x7d: {  	s16 =	simm.s32 $0xDA00  }
0x7e: {  	[tilespmem:s16], [sflag:$0x3] =	stream.indirect_vreg.gather [hbm4b:s1+s3], $0x80, v3, vm0, $0xb8;
	[tilespmem:$0x1E200] =	vst v63  }
0x7f: {  	s17 =	simm.s32 $0xE200  }
0x80: {  	[tilespmem:s17], [sflag:$0x3] =	stream.indirect_vreg.gather [hbm4b:s5+s3], $0x80, v3, vm0, $0xb8;
	[tilespmem:$0x1E200] =	vst v63  }
0x81: {  	s20 =	simm.s32 $0xEA00  }
0x82: {  	[tilespmem:s20], [sflag:$0x3] =	stream.indirect_vreg.gather [hbm4b:s6+s3], $0x80, v3, vm0, $0xb8;
	[tilespmem:$0x1E200] =	vst v63  }
0x83: {  	v3 =	vld [tilespmem:$0x50];
	_ =	sdelay $0x4  }
0x84: {  	v37 =	vshrl.u32 v3, $0x3  }
0x85: {  	v4 =	vmul.u32 $0x30, v37  }
0x86: {  	v3 =	vand.u32 $0x7, v3  }
0x87: {  	v3 =	vor.u32 v3, v4  }
0x88: {  	v4 =	vperm.xlane v3, v0;
	_ =	sdelay $0x1  }
0x89: {  	v4 =	vadd.s32 v1, v4;
	_ =	sdelay $0x3  }
0x8a: {  	s21 =	simm.s32 $0xF200;
	v3 =	vperm.xlane v3, v2  }
0x8b: {  	[tilespmem:s21], [sflag:$0x3] =	stream.indirect_vreg.gather [hbm4b:s1+s3], $0x80, v4, vm0, $0xb8;
	[tilespmem:$0x1E200] =	vst v63  }
0x8c: {  	s4 =	simm.s32 $0xFA00;
	v3 =	vadd.s32 v1, v3  }
0x8d: {  	[tilespmem:s4], [sflag:$0x3] =	stream.indirect_vreg.gather [hbm4b:s5+s3], $0x80, v4, vm0, $0xb8;
	[tilespmem:$0x1E200] =	vst v63  }
0x8e: {  	s12 =	simm.s32 $0x10200  }
0x8f: {  	[tilespmem:s12], [sflag:$0x3] =	stream.indirect_vreg.gather [hbm4b:s6+s3], $0x80, v4, vm0, $0xb8;
	[tilespmem:$0x1E200] =	vst v63  }
0x90: {  	s14 =	simm.s32 $0x10A00  }
0x91: {  	[tilespmem:s14], [sflag:$0x3] =	stream.indirect_vreg.gather [hbm4b:s1+s3], $0x80, v3, vm0, $0xb8;
	[tilespmem:$0x1E200] =	vst v63  }
0x92: {  	s15 =	simm.s32 $0x11200  }
0x93: {  	[tilespmem:s15], [sflag:$0x3] =	stream.indirect_vreg.gather [hbm4b:s5+s3], $0x80, v3, vm0, $0xb8;
	[tilespmem:$0x1E200] =	vst v63  }
0x94: {  	s16 =	simm.s32 $0x11A00  }
0x95: {  	[tilespmem:s16], [sflag:$0x3] =	stream.indirect_vreg.gather [hbm4b:s6+s3], $0x80, v3, vm0, $0xb8;
	[tilespmem:$0x1E200] =	vst v63  }
0x96: {  	v3 =	vld [tilespmem:$0x60];
	_ =	sdelay $0x4  }
0x97: {  	v38 =	vshrl.u32 v3, $0x3  }
0x98: {  	v4 =	vmul.u32 $0x30, v38  }
0x99: {  	v3 =	vand.u32 $0x7, v3  }
0x9a: {  	v3 =	vor.u32 v3, v4  }
0x9b: {  	v4 =	vperm.xlane v3, v0;
	_ =	sdelay $0x1  }
0x9c: {  	v4 =	vadd.s32 v1, v4;
	_ =	sdelay $0x3  }
0x9d: {  	s4 =	simm.s32 $0x12200;
	v3 =	vperm.xlane v3, v2  }
0x9e: {  	[tilespmem:s4], [sflag:$0x4] =	stream.indirect_vreg.gather [hbm4b:s1+s3], $0x80, v4, vm0, $0xb8;
	[tilespmem:$0x1E200] =	vst v63  }
0x9f: {  	s17 =	simm.s32 $0x12A00;
	v3 =	vadd.s32 v1, v3  }
0xa0: {  	[tilespmem:s17], [sflag:$0x4] =	stream.indirect_vreg.gather [hbm4b:s5+s3], $0x80, v4, vm0, $0xb8;
	[tilespmem:$0x1E200] =	vst v63  }
0xa1: {  	s20 =	simm.s32 $0x13200  }
0xa2: {  	[tilespmem:s20], [sflag:$0x4] =	stream.indirect_vreg.gather [hbm4b:s6+s3], $0x80, v4, vm0, $0xb8;
	[tilespmem:$0x1E200] =	vst v63  }
0xa3: {  	s21 =	simm.s32 $0x13A00  }
0xa4: {  	[tilespmem:s21], [sflag:$0x4] =	stream.indirect_vreg.gather [hbm4b:s1+s3], $0x80, v3, vm0, $0xb8;
	[tilespmem:$0x1E200] =	vst v63  }
0xa5: {  	s12 =	simm.s32 $0x14200  }
0xa6: {  	[tilespmem:s12], [sflag:$0x4] =	stream.indirect_vreg.gather [hbm4b:s5+s3], $0x80, v3, vm0, $0xb8;
	[tilespmem:$0x1E200] =	vst v63  }
0xa7: {  	s14 =	simm.s32 $0x14A00  }
0xa8: {  	[tilespmem:s14], [sflag:$0x4] =	stream.indirect_vreg.gather [hbm4b:s6+s3], $0x80, v3, vm0, $0xb8;
	[tilespmem:$0x1E200] =	vst v63  }
0xa9: {  	v3 =	vld [tilespmem:$0x70];
	_ =	sdelay $0x4  }
0xaa: {  	v39 =	vshrl.u32 v3, $0x3  }
0xab: {  	v4 =	vmul.u32 $0x30, v39  }
0xac: {  	v3 =	vand.u32 $0x7, v3  }
0xad: {  	v3 =	vor.u32 v3, v4  }
0xae: {  	v4 =	vperm.xlane v3, v0;
	_ =	sdelay $0x1  }
0xaf: {  	v4 =	vadd.s32 v1, v4;
	_ =	sdelay $0x3  }
0xb0: {  	s15 =	simm.s32 $0x15200;
	v3 =	vperm.xlane v3, v2  }
0xb1: {  	[tilespmem:s15], [sflag:$0x4] =	stream.indirect_vreg.gather [hbm4b:s1+s3], $0x80, v4, vm0, $0xb8;
	[tilespmem:$0x1E200] =	vst v63  }
0xb2: {  	s16 =	simm.s32 $0x15A00;
	v3 =	vadd.s32 v1, v3  }
0xb3: {  	[tilespmem:s16], [sflag:$0x4] =	stream.indirect_vreg.gather [hbm4b:s5+s3], $0x80, v4, vm0, $0xb8;
	[tilespmem:$0x1E200] =	vst v63  }
0xb4: {  	s17 =	simm.s32 $0x16200  }
0xb5: {  	[tilespmem:s17], [sflag:$0x4] =	stream.indirect_vreg.gather [hbm4b:s6+s3], $0x80, v4, vm0, $0xb8;
	[tilespmem:$0x1E200] =	vst v63  }
0xb6: {  	s20 =	simm.s32 $0x16A00  }
0xb7: {  	[tilespmem:s20], [sflag:$0x4] =	stream.indirect_vreg.gather [hbm4b:s1+s3], $0x80, v3, vm0, $0xb8;
	[tilespmem:$0x1E200] =	vst v63  }
0xb8: {  	s21 =	simm.s32 $0x17200  }
0xb9: {  	[tilespmem:s21], [sflag:$0x4] =	stream.indirect_vreg.gather [hbm4b:s5+s3], $0x80, v3, vm0, $0xb8;
	[tilespmem:$0x1E200] =	vst v63  }
0xba: {  	s12 =	simm.s32 $0x17A00  }
0xbb: {  	[tilespmem:s12], [sflag:$0x4] =	stream.indirect_vreg.gather [hbm4b:s6+s3], $0x80, v3, vm0, $0xb8;
	[tilespmem:$0x1E200] =	vst v63  }
0xbc: {  	_ =	swait.ge [sflag:s25], $0x6000  }
0xbd: {  	[sflag:s25] =	ssyncset.done $0x0  }
0xbe: {  	s14 =	rddreg [dreg:$0x16];
	[sflag:s25] =	ssyncadd.s32 $0xFFFFA000  }
0xbf: {  	[hbm4b:s14+s3] =	stream.linear.scatter [tilespmem:s9], [sflag:$0x6], $0x6000, $0x38;
	[tilespmem:$0x1E200] =	vst v63  }
0xc0: {  	v3 =	vld [tilespmem:$0x80];
	_ =	sdelay $0x4  }
0xc1: {  	v40 =	vshrl.u32 v3, $0x3  }
0xc2: {  	v4 =	vmul.u32 $0x30, v40  }
0xc3: {  	v3 =	vand.u32 $0x7, v3  }
0xc4: {  	v3 =	vor.u32 v3, v4  }
0xc5: {  	v4 =	vperm.xlane v3, v0;
	_ =	sdelay $0x1  }
0xc6: {  	v4 =	vadd.s32 v1, v4;
	_ =	sdelay $0x3  }
0xc7: {  	v3 =	vperm.xlane v3, v2  }
0xc8: {  	[tilespmem:s22], [sflag:$0x5] =	stream.indirect_vreg.gather [hbm4b:s1+s3], $0x80, v4, vm0, $0xb8;
	[tilespmem:$0x1E200] =	vst v63  }
0xc9: {  	s15 =	simm.s32 $0x18A00;
	v3 =	vadd.s32 v1, v3  }
0xca: {  	[tilespmem:s15], [sflag:$0x5] =	stream.indirect_vreg.gather [hbm4b:s5+s3], $0x80, v4, vm0, $0xb8;
	[tilespmem:$0x1E200] =	vst v63  }
0xcb: {  	s16 =	simm.s32 $0x19200  }
0xcc: {  	[tilespmem:s16], [sflag:$0x5] =	stream.indirect_vreg.gather [hbm4b:s6+s3], $0x80, v4, vm0, $0xb8;
	[tilespmem:$0x1E200] =	vst v63  }
0xcd: {  	s17 =	simm.s32 $0x19A00  }
0xce: {  	[tilespmem:s17], [sflag:$0x5] =	stream.indirect_vreg.gather [hbm4b:s1+s3], $0x80, v3, vm0, $0xb8;
	[tilespmem:$0x1E200] =	vst v63  }
0xcf: {  	s20 =	simm.s32 $0x1A200  }
0xd0: {  	[tilespmem:s20], [sflag:$0x5] =	stream.indirect_vreg.gather [hbm4b:s5+s3], $0x80, v3, vm0, $0xb8;
	[tilespmem:$0x1E200] =	vst v63  }
0xd1: {  	s21 =	simm.s32 $0x1AA00  }
0xd2: {  	[tilespmem:s21], [sflag:$0x5] =	stream.indirect_vreg.gather [hbm4b:s6+s3], $0x80, v3, vm0, $0xb8;
	[tilespmem:$0x1E200] =	vst v63  }
0xd3: {  	v3 =	vld [tilespmem:$0x90];
	_ =	sdelay $0x4  }
0xd4: {  	v41 =	vshrl.u32 v3, $0x3  }
0xd5: {  	v4 =	vmul.u32 $0x30, v41  }
0xd6: {  	v3 =	vand.u32 $0x7, v3  }
0xd7: {  	v3 =	vor.u32 v3, v4  }
0xd8: {  	v4 =	vperm.xlane v3, v0;
	_ =	sdelay $0x1  }
0xd9: {  	v4 =	vadd.s32 v1, v4;
	_ =	sdelay $0x3  }
0xda: {  	s0 =	simm.s32 $0x1B200;
	v3 =	vperm.xlane v3, v2  }
0xdb: {  	[tilespmem:s0], [sflag:$0x5] =	stream.indirect_vreg.gather [hbm4b:s1+s3], $0x80, v4, vm0, $0xb8;
	[tilespmem:$0x1E200] =	vst v63  }
0xdc: {  	s14 =	simm.s32 $0x1BA00;
	v3 =	vadd.s32 v1, v3  }
0xdd: {  	[tilespmem:s14], [sflag:$0x5] =	stream.indirect_vreg.gather [hbm4b:s5+s3], $0x80, v4, vm0, $0xb8;
	[tilespmem:$0x1E200] =	vst v63  }
0xde: {  	s15 =	simm.s32 $0x1C200  }
0xdf: {  	[tilespmem:s15], [sflag:$0x5] =	stream.indirect_vreg.gather [hbm4b:s6+s3], $0x80, v4, vm0, $0xb8;
	[tilespmem:$0x1E200] =	vst v63  }
0xe0: {  	s16 =	simm.s32 $0x1CA00  }
0xe1: {  	[tilespmem:s16], [sflag:$0x5] =	stream.indirect_vreg.gather [hbm4b:s1+s3], $0x80, v3, vm0, $0xb8;
	[tilespmem:$0x1E200] =	vst v63  }
0xe2: {  	s17 =	simm.s32 $0x1D200  }
0xe3: {  	[tilespmem:s17], [sflag:$0x5] =	stream.indirect_vreg.gather [hbm4b:s5+s3], $0x80, v3, vm0, $0xb8;
	[tilespmem:$0x1E200] =	vst v63  }
0xe4: {  	s20 =	simm.s32 $0x1DA00;
	s0 =	simm.s32 $0x2  }
0xe5: {  	[tilespmem:s20], [sflag:$0x5] =	stream.indirect_vreg.gather [hbm4b:s6+s3], $0x80, v3, vm0, $0xb8;
	[tilespmem:$0x1E200] =	vst v63  }
0xe6: {  	_ =	swait.ge [sflag:s0], $0x6000  }
0xe7: {  	[sflag:s0] =	ssyncset.done $0x0  }
0xe8: {  	s21 =	rddreg [dreg:$0x7];
	[sflag:s0] =	ssyncadd.s32 $0xFFFFA000  }
0xe9: {  	[hbm4b:s21+s3] =	stream.linear.scatter [tilespmem:s13], [sflag:$0x7], $0x6000, $0x38;
	[tilespmem:$0x1E200] =	vst v63  }
0xea: {  	_ =	swait.ge [sflag:s2], $0x6000  }
0xeb: {  	[sflag:s2] =	ssyncset.done $0x0  }
0xec: {  	[sflag:s2] =	ssyncadd.s32 $0xFFFFA000  }
0xed: {  	v3 =	vld [tilespmem:$0xA0];
	_ =	sdelay $0x4  }
0xee: {  	v42 =	vshrl.u32 v3, $0x3  }
0xef: {  	v4 =	vmul.u32 $0x30, v42  }
0xf0: {  	v3 =	vand.u32 $0x7, v3  }
0xf1: {  	v3 =	vor.u32 v3, v4  }
0xf2: {  	v4 =	vperm.xlane v3, v0;
	_ =	sdelay $0x1  }
0xf3: {  	v4 =	vadd.s32 v1, v4;
	_ =	sdelay $0x3  }
0xf4: {  	v3 =	vperm.xlane v3, v2  }
0xf5: {  	[tilespmem:s9], [sflag:$0x1] =	stream.indirect_vreg.gather [hbm4b:s1+s3], $0x80, v4, vm0, $0xb8;
	[tilespmem:$0x1E200] =	vst v63  }
0xf6: {  	s14 =	simm.s32 $0xA00;
	v3 =	vadd.s32 v1, v3  }
0xf7: {  	[tilespmem:s14], [sflag:$0x1] =	stream.indirect_vreg.gather [hbm4b:s5+s3], $0x80, v4, vm0, $0xb8;
	[tilespmem:$0x1E200] =	vst v63  }
0xf8: {  	s15 =	simm.s32 $0x1200  }
0xf9: {  	[tilespmem:s15], [sflag:$0x1] =	stream.indirect_vreg.gather [hbm4b:s6+s3], $0x80, v4, vm0, $0xb8;
	[tilespmem:$0x1E200] =	vst v63  }
0xfa: {  	s16 =	simm.s32 $0x1A00  }
0xfb: {  	[tilespmem:s16], [sflag:$0x1] =	stream.indirect_vreg.gather [hbm4b:s1+s3], $0x80, v3, vm0, $0xb8;
	[tilespmem:$0x1E200] =	vst v63  }
0xfc: {  	s17 =	simm.s32 $0x2200  }
0xfd: {  	[tilespmem:s17], [sflag:$0x1] =	stream.indirect_vreg.gather [hbm4b:s5+s3], $0x80, v3, vm0, $0xb8;
	[tilespmem:$0x1E200] =	vst v63  }
0xfe: {  	s18 =	simm.s32 $0x2A00  }
0xff: {  	[tilespmem:s18], [sflag:$0x1] =	stream.indirect_vreg.gather [hbm4b:s6+s3], $0x80, v3, vm0, $0xb8;
	[tilespmem:$0x1E200] =	vst v63  }
0x100: {  	v3 =	vld [tilespmem:$0xB0];
	_ =	sdelay $0x4  }
0x101: {  	v43 =	vshrl.u32 v3, $0x3  }
0x102: {  	v4 =	vmul.u32 $0x30, v43  }
0x103: {  	v3 =	vand.u32 $0x7, v3  }
0x104: {  	v3 =	vor.u32 v3, v4  }
0x105: {  	v4 =	vperm.xlane v3, v0;
	_ =	sdelay $0x1  }
0x106: {  	v4 =	vadd.s32 v1, v4;
	_ =	sdelay $0x3  }
0x107: {  	s19 =	simm.s32 $0x3200;
	v3 =	vperm.xlane v3, v2  }
0x108: {  	[tilespmem:s19], [sflag:$0x1] =	stream.indirect_vreg.gather [hbm4b:s1+s3], $0x80, v4, vm0, $0xb8;
	[tilespmem:$0x1E200] =	vst v63  }
0x109: {  	s18 =	simm.s32 $0x3A00;
	v3 =	vadd.s32 v1, v3  }
0x10a: {  	[tilespmem:s18], [sflag:$0x1] =	stream.indirect_vreg.gather [hbm4b:s5+s3], $0x80, v4, vm0, $0xb8;
	[tilespmem:$0x1E200] =	vst v63  }
0x10b: {  	s19 =	simm.s32 $0x4200  }
0x10c: {  	[tilespmem:s19], [sflag:$0x1] =	stream.indirect_vreg.gather [hbm4b:s6+s3], $0x80, v4, vm0, $0xb8;
	[tilespmem:$0x1E200] =	vst v63  }
0x10d: {  	s20 =	simm.s32 $0x4A00  }
0x10e: {  	[tilespmem:s20], [sflag:$0x1] =	stream.indirect_vreg.gather [hbm4b:s1+s3], $0x80, v3, vm0, $0xb8;
	[tilespmem:$0x1E200] =	vst v63  }
0x10f: {  	s21 =	simm.s32 $0x5200  }
0x110: {  	[tilespmem:s21], [sflag:$0x1] =	stream.indirect_vreg.gather [hbm4b:s5+s3], $0x80, v3, vm0, $0xb8;
	[tilespmem:$0x1E200] =	vst v63  }
0x111: {  	s10 =	simm.s32 $0x5A00  }
0x112: {  	[tilespmem:s10], [sflag:$0x1] =	stream.indirect_vreg.gather [hbm4b:s6+s3], $0x80, v3, vm0, $0xb8;
	[tilespmem:$0x1E200] =	vst v63  }
0x113: {  	_ =	swait.ge [sflag:s8], $0x6000  }
0x114: {  	[sflag:s8] =	ssyncset.done $0x0  }
0x115: {  	s23 =	simm.s32 $0xC200;
	s10 =	rddreg [dreg:$0x8];
	[sflag:s8] =	ssyncadd.s32 $0xFFFFA000  }
0x116: {  	[hbm4b:s10+s3] =	stream.linear.scatter [tilespmem:s23], [sflag:$0x8], $0x6000, $0x38;
	[tilespmem:$0x1E200] =	vst v63  }
0x117: {  	_ =	swait.ge [sflag:s31], $0x6000  }
0x118: {  	[sflag:s31] =	ssyncset.done $0x0  }
0x119: {  	[sflag:s31] =	ssyncadd.s32 $0xFFFFA000  }
0x11a: {  	v3 =	vld [tilespmem:$0xC0];
	_ =	sdelay $0x4  }
0x11b: {  	v44 =	vshrl.u32 v3, $0x3  }
0x11c: {  	v4 =	vmul.u32 $0x30, v44  }
0x11d: {  	v3 =	vand.u32 $0x7, v3  }
0x11e: {  	v3 =	vor.u32 v3, v4  }
0x11f: {  	v4 =	vperm.xlane v3, v0;
	_ =	sdelay $0x1  }
0x120: {  	v4 =	vadd.s32 v1, v4;
	_ =	sdelay $0x3  }
0x121: {  	v3 =	vperm.xlane v3, v2  }
0x122: {  	[tilespmem:s13], [sflag:$0x2] =	stream.indirect_vreg.gather [hbm4b:s1+s3], $0x80, v4, vm0, $0xb8;
	[tilespmem:$0x1E200] =	vst v63  }
0x123: {  	s12 =	simm.s32 $0x6A00;
	v3 =	vadd.s32 v1, v3  }
0x124: {  	[tilespmem:s12], [sflag:$0x2] =	stream.indirect_vreg.gather [hbm4b:s5+s3], $0x80, v4, vm0, $0xb8;
	[tilespmem:$0x1E200] =	vst v63  }
0x125: {  	s12 =	simm.s32 $0x7200  }
0x126: {  	[tilespmem:s12], [sflag:$0x2] =	stream.indirect_vreg.gather [hbm4b:s6+s3], $0x80, v4, vm0, $0xb8;
	[tilespmem:$0x1E200] =	vst v63  }
0x127: {  	s12 =	simm.s32 $0x7A00  }
0x128: {  	[tilespmem:s12], [sflag:$0x2] =	stream.indirect_vreg.gather [hbm4b:s1+s3], $0x80, v3, vm0, $0xb8;
	[tilespmem:$0x1E200] =	vst v63  }
0x129: {  	s12 =	simm.s32 $0x8200  }
0x12a: {  	[tilespmem:s12], [sflag:$0x2] =	stream.indirect_vreg.gather [hbm4b:s5+s3], $0x80, v3, vm0, $0xb8;
	[tilespmem:$0x1E200] =	vst v63  }
0x12b: {  	s26 =	simm.s32 $0x8A00  }
0x12c: {  	[tilespmem:s26], [sflag:$0x2] =	stream.indirect_vreg.gather [hbm4b:s6+s3], $0x80, v3, vm0, $0xb8;
	[tilespmem:$0x1E200] =	vst v63  }
0x12d: {  	v3 =	vld [tilespmem:$0xD0];
	_ =	sdelay $0x4  }
0x12e: {  	v45 =	vshrl.u32 v3, $0x3  }
0x12f: {  	v4 =	vmul.u32 $0x30, v45  }
0x130: {  	v3 =	vand.u32 $0x7, v3  }
0x131: {  	v3 =	vor.u32 v3, v4  }
0x132: {  	v4 =	vperm.xlane v3, v0;
	_ =	sdelay $0x1  }
0x133: {  	v4 =	vadd.s32 v1, v4;
	_ =	sdelay $0x3  }
0x134: {  	s12 =	simm.s32 $0x9200;
	v3 =	vperm.xlane v3, v2  }
0x135: {  	[tilespmem:s12], [sflag:$0x2] =	stream.indirect_vreg.gather [hbm4b:s1+s3], $0x80, v4, vm0, $0xb8;
	[tilespmem:$0x1E200] =	vst v63  }
0x136: {  	s26 =	simm.s32 $0x9A00;
	v3 =	vadd.s32 v1, v3  }
0x137: {  	[tilespmem:s26], [sflag:$0x2] =	stream.indirect_vreg.gather [hbm4b:s5+s3], $0x80, v4, vm0, $0xb8;
	[tilespmem:$0x1E200] =	vst v63  }
0x138: {  	s12 =	simm.s32 $0xA200  }
0x139: {  	[tilespmem:s12], [sflag:$0x2] =	stream.indirect_vreg.gather [hbm4b:s6+s3], $0x80, v4, vm0, $0xb8;
	[tilespmem:$0x1E200] =	vst v63  }
0x13a: {  	s26 =	simm.s32 $0xAA00  }
0x13b: {  	[tilespmem:s26], [sflag:$0x2] =	stream.indirect_vreg.gather [hbm4b:s1+s3], $0x80, v3, vm0, $0xb8;
	[tilespmem:$0x1E200] =	vst v63  }
0x13c: {  	s12 =	simm.s32 $0xB200  }
0x13d: {  	[tilespmem:s12], [sflag:$0x2] =	stream.indirect_vreg.gather [hbm4b:s5+s3], $0x80, v3, vm0, $0xb8;
	[tilespmem:$0x1E200] =	vst v63  }
0x13e: {  	s26 =	simm.s32 $0xBA00  }
0x13f: {  	[tilespmem:s26], [sflag:$0x2] =	stream.indirect_vreg.gather [hbm4b:s6+s3], $0x80, v3, vm0, $0xb8;
	[tilespmem:$0x1E200] =	vst v63  }
0x140: {  	_ =	swait.ge [sflag:s24], $0x6000  }
0x141: {  	[sflag:s24] =	ssyncset.done $0x0  }
0x142: {  	s10 =	rddreg [dreg:$0x9];
	[sflag:s24] =	ssyncadd.s32 $0xFFFFA000  }
0x143: {  	[hbm4b:s10+s3] =	stream.linear.scatter [tilespmem:s4], [sflag:$0x9], $0x6000, $0x38;
	[tilespmem:$0x1E200] =	vst v63  }
0x144: {  	_ =	swait.ge [sflag:s28], $0x6000  }
0x145: {  	[sflag:s28] =	ssyncset.done $0x0  }
0x146: {  	[sflag:s28] =	ssyncadd.s32 $0xFFFFA000  }
0x147: {  	v3 =	vld [tilespmem:$0xE0];
	_ =	sdelay $0x4  }
0x148: {  	v46 =	vshrl.u32 v3, $0x3  }
0x149: {  	v4 =	vmul.u32 $0x30, v46  }
0x14a: {  	v3 =	vand.u32 $0x7, v3  }
0x14b: {  	v3 =	vor.u32 v3, v4  }
0x14c: {  	v4 =	vperm.xlane v3, v0;
	_ =	sdelay $0x1  }
0x14d: {  	v4 =	vadd.s32 v1, v4;
	_ =	sdelay $0x3  }
0x14e: {  	v3 =	vperm.xlane v3, v2  }
0x14f: {  	[tilespmem:s23], [sflag:$0x3] =	stream.indirect_vreg.gather [hbm4b:s1+s3], $0x80, v4, vm0, $0xb8;
	[tilespmem:$0x1E200] =	vst v63  }
0x150: {  	s26 =	simm.s32 $0xCA00;
	v3 =	vadd.s32 v1, v3  }
0x151: {  	[tilespmem:s26], [sflag:$0x3] =	stream.indirect_vreg.gather [hbm4b:s5+s3], $0x80, v4, vm0, $0xb8;
	[tilespmem:$0x1E200] =	vst v63  }
0x152: {  	s12 =	simm.s32 $0xD200  }
0x153: {  	[tilespmem:s12], [sflag:$0x3] =	stream.indirect_vreg.gather [hbm4b:s6+s3], $0x80, v4, vm0, $0xb8;
	[tilespmem:$0x1E200] =	vst v63  }
0x154: {  	s23 =	simm.s32 $0xDA00  }
0x155: {  	[tilespmem:s23], [sflag:$0x3] =	stream.indirect_vreg.gather [hbm4b:s1+s3], $0x80, v3, vm0, $0xb8;
	[tilespmem:$0x1E200] =	vst v63  }
0x156: {  	s26 =	simm.s32 $0xE200  }
0x157: {  	[tilespmem:s26], [sflag:$0x3] =	stream.indirect_vreg.gather [hbm4b:s5+s3], $0x80, v3, vm0, $0xb8;
	[tilespmem:$0x1E200] =	vst v63  }
0x158: {  	s12 =	simm.s32 $0xEA00  }
0x159: {  	[tilespmem:s12], [sflag:$0x3] =	stream.indirect_vreg.gather [hbm4b:s6+s3], $0x80, v3, vm0, $0xb8;
	[tilespmem:$0x1E200] =	vst v63  }
0x15a: {  	v3 =	vld [tilespmem:$0xF0];
	_ =	sdelay $0x4  }
0x15b: {  	v47 =	vshrl.u32 v3, $0x3  }
0x15c: {  	v4 =	vmul.u32 $0x30, v47  }
0x15d: {  	v3 =	vand.u32 $0x7, v3  }
0x15e: {  	v3 =	vor.u32 v3, v4  }
0x15f: {  	v4 =	vperm.xlane v3, v0;
	_ =	sdelay $0x1  }
0x160: {  	v4 =	vadd.s32 v1, v4;
	_ =	sdelay $0x3  }
0x161: {  	s23 =	simm.s32 $0xF200;
	v3 =	vperm.xlane v3, v2  }
0x162: {  	[tilespmem:s23], [sflag:$0x3] =	stream.indirect_vreg.gather [hbm4b:s1+s3], $0x80, v4, vm0, $0xb8;
	[tilespmem:$0x1E200] =	vst v63  }
0x163: {  	s26 =	simm.s32 $0xFA00;
	v3 =	vadd.s32 v1, v3  }
0x164: {  	[tilespmem:s26], [sflag:$0x3] =	stream.indirect_vreg.gather [hbm4b:s5+s3], $0x80, v4, vm0, $0xb8;
	[tilespmem:$0x1E200] =	vst v63  }
0x165: {  	s12 =	simm.s32 $0x10200  }
0x166: {  	[tilespmem:s12], [sflag:$0x3] =	stream.indirect_vreg.gather [hbm4b:s6+s3], $0x80, v4, vm0, $0xb8;
	[tilespmem:$0x1E200] =	vst v63  }
0x167: {  	s23 =	simm.s32 $0x10A00  }
0x168: {  	[tilespmem:s23], [sflag:$0x3] =	stream.indirect_vreg.gather [hbm4b:s1+s3], $0x80, v3, vm0, $0xb8;
	[tilespmem:$0x1E200] =	vst v63  }
0x169: {  	s26 =	simm.s32 $0x11200  }
0x16a: {  	[tilespmem:s26], [sflag:$0x3] =	stream.indirect_vreg.gather [hbm4b:s5+s3], $0x80, v3, vm0, $0xb8;
	[tilespmem:$0x1E200] =	vst v63  }
0x16b: {  	s12 =	simm.s32 $0x11A00  }
0x16c: {  	[tilespmem:s12], [sflag:$0x3] =	stream.indirect_vreg.gather [hbm4b:s6+s3], $0x80, v3, vm0, $0xb8;
	[tilespmem:$0x1E200] =	vst v63  }
0x16d: {  	_ =	swait.ge [sflag:s29], $0x6000  }
0x16e: {  	[sflag:s29] =	ssyncset.done $0x0  }
0x16f: {  	s23 =	rddreg [dreg:$0xa];
	[sflag:s29] =	ssyncadd.s32 $0xFFFFA000  }
0x170: {  	[hbm4b:s23+s3] =	stream.linear.scatter [tilespmem:s22], [sflag:$0xA], $0x6000, $0x38;
	[tilespmem:$0x1E200] =	vst v63  }
0x171: {  	_ =	swait.ge [sflag:s30], $0x6000  }
0x172: {  	[sflag:s30] =	ssyncset.done $0x0  }
0x173: {  	[sflag:s30] =	ssyncadd.s32 $0xFFFFA000  }
0x174: {  	v3 =	vld [tilespmem:$0x100];
	_ =	sdelay $0x4  }
0x175: {  	v48 =	vshrl.u32 v3, $0x3  }
0x176: {  	v4 =	vmul.u32 $0x30, v48  }
0x177: {  	v3 =	vand.u32 $0x7, v3  }
0x178: {  	v3 =	vor.u32 v3, v4  }
0x179: {  	v4 =	vperm.xlane v3, v0;
	_ =	sdelay $0x1  }
0x17a: {  	v4 =	vadd.s32 v1, v4;
	_ =	sdelay $0x3  }
0x17b: {  	v3 =	vperm.xlane v3, v2  }
0x17c: {  	[tilespmem:s4], [sflag:$0x4] =	stream.indirect_vreg.gather [hbm4b:s1+s3], $0x80, v4, vm0, $0xb8;
	[tilespmem:$0x1E200] =	vst v63  }
0x17d: {  	s26 =	simm.s32 $0x12A00;
	v3 =	vadd.s32 v1, v3  }
0x17e: {  	[tilespmem:s26], [sflag:$0x4] =	stream.indirect_vreg.gather [hbm4b:s5+s3], $0x80, v4, vm0, $0xb8;
	[tilespmem:$0x1E200] =	vst v63  }
0x17f: {  	s12 =	simm.s32 $0x13200  }
0x180: {  	[tilespmem:s12], [sflag:$0x4] =	stream.indirect_vreg.gather [hbm4b:s6+s3], $0x80, v4, vm0, $0xb8;
	[tilespmem:$0x1E200] =	vst v63  }
0x181: {  	s23 =	simm.s32 $0x13A00  }
0x182: {  	[tilespmem:s23], [sflag:$0x4] =	stream.indirect_vreg.gather [hbm4b:s1+s3], $0x80, v3, vm0, $0xb8;
	[tilespmem:$0x1E200] =	vst v63  }
0x183: {  	s26 =	simm.s32 $0x14200  }
0x184: {  	[tilespmem:s26], [sflag:$0x4] =	stream.indirect_vreg.gather [hbm4b:s5+s3], $0x80, v3, vm0, $0xb8;
	[tilespmem:$0x1E200] =	vst v63  }
0x185: {  	s12 =	simm.s32 $0x14A00  }
0x186: {  	[tilespmem:s12], [sflag:$0x4] =	stream.indirect_vreg.gather [hbm4b:s6+s3], $0x80, v3, vm0, $0xb8;
	[tilespmem:$0x1E200] =	vst v63  }
0x187: {  	v3 =	vld [tilespmem:$0x110];
	_ =	sdelay $0x4  }
0x188: {  	v49 =	vshrl.u32 v3, $0x3  }
0x189: {  	v4 =	vmul.u32 $0x30, v49  }
0x18a: {  	v3 =	vand.u32 $0x7, v3  }
0x18b: {  	v3 =	vor.u32 v3, v4  }
0x18c: {  	v4 =	vperm.xlane v3, v0;
	_ =	sdelay $0x1  }
0x18d: {  	v4 =	vadd.s32 v1, v4;
	_ =	sdelay $0x3  }
0x18e: {  	s23 =	simm.s32 $0x15200;
	v3 =	vperm.xlane v3, v2  }
0x18f: {  	[tilespmem:s23], [sflag:$0x4] =	stream.indirect_vreg.gather [hbm4b:s1+s3], $0x80, v4, vm0, $0xb8;
	[tilespmem:$0x1E200] =	vst v63  }
0x190: {  	s26 =	simm.s32 $0x15A00;
	v3 =	vadd.s32 v1, v3  }
0x191: {  	[tilespmem:s26], [sflag:$0x4] =	stream.indirect_vreg.gather [hbm4b:s5+s3], $0x80, v4, vm0, $0xb8;
	[tilespmem:$0x1E200] =	vst v63  }
0x192: {  	s12 =	simm.s32 $0x16200  }
0x193: {  	[tilespmem:s12], [sflag:$0x4] =	stream.indirect_vreg.gather [hbm4b:s6+s3], $0x80, v4, vm0, $0xb8;
	[tilespmem:$0x1E200] =	vst v63  }
0x194: {  	s23 =	simm.s32 $0x16A00  }
0x195: {  	[tilespmem:s23], [sflag:$0x4] =	stream.indirect_vreg.gather [hbm4b:s1+s3], $0x80, v3, vm0, $0xb8;
	[tilespmem:$0x1E200] =	vst v63  }
0x196: {  	s26 =	simm.s32 $0x17200  }
0x197: {  	[tilespmem:s26], [sflag:$0x4] =	stream.indirect_vreg.gather [hbm4b:s5+s3], $0x80, v3, vm0, $0xb8;
	[tilespmem:$0x1E200] =	vst v63  }
0x198: {  	s12 =	simm.s32 $0x17A00  }
0x199: {  	[tilespmem:s12], [sflag:$0x4] =	stream.indirect_vreg.gather [hbm4b:s6+s3], $0x80, v3, vm0, $0xb8;
	[tilespmem:$0x1E200] =	vst v63  }
0x19a: {  	_ =	swait.ge [sflag:s25], $0x6000  }
0x19b: {  	[sflag:s25] =	ssyncset.done $0x0  }
0x19c: {  	s23 =	rddreg [dreg:$0xb];
	[sflag:s25] =	ssyncadd.s32 $0xFFFFA000  }
0x19d: {  	[hbm4b:s23+s3] =	stream.linear.scatter [tilespmem:s9], [sflag:$0x6], $0x6000, $0x38;
	[tilespmem:$0x1E200] =	vst v63  }
0x19e: {  	_ =	swait.ge [sflag:s11], $0x6000  }
0x19f: {  	[sflag:s11] =	ssyncset.done $0x0  }
0x1a0: {  	[sflag:s11] =	ssyncadd.s32 $0xFFFFA000  }
0x1a1: {  	v3 =	vld [tilespmem:$0x120];
	_ =	sdelay $0x4  }
0x1a2: {  	v50 =	vshrl.u32 v3, $0x3  }
0x1a3: {  	v4 =	vmul.u32 $0x30, v50  }
0x1a4: {  	v3 =	vand.u32 $0x7, v3  }
0x1a5: {  	v3 =	vor.u32 v3, v4  }
0x1a6: {  	v4 =	vperm.xlane v3, v0;
	_ =	sdelay $0x1  }
0x1a7: {  	v4 =	vadd.s32 v1, v4;
	_ =	sdelay $0x3  }
0x1a8: {  	v3 =	vperm.xlane v3, v2  }
0x1a9: {  	[tilespmem:s22], [sflag:$0x5] =	stream.indirect_vreg.gather [hbm4b:s1+s3], $0x80, v4, vm0, $0xb8;
	[tilespmem:$0x1E200] =	vst v63  }
0x1aa: {  	s26 =	simm.s32 $0x18A00;
	v3 =	vadd.s32 v1, v3  }
0x1ab: {  	[tilespmem:s26], [sflag:$0x5] =	stream.indirect_vreg.gather [hbm4b:s5+s3], $0x80, v4, vm0, $0xb8;
	[tilespmem:$0x1E200] =	vst v63  }
0x1ac: {  	s23 =	simm.s32 $0x19200  }
0x1ad: {  	[tilespmem:s23], [sflag:$0x5] =	stream.indirect_vreg.gather [hbm4b:s6+s3], $0x80, v4, vm0, $0xb8;
	[tilespmem:$0x1E200] =	vst v63  }
0x1ae: {  	s26 =	simm.s32 $0x19A00  }
0x1af: {  	[tilespmem:s26], [sflag:$0x5] =	stream.indirect_vreg.gather [hbm4b:s1+s3], $0x80, v3, vm0, $0xb8;
	[tilespmem:$0x1E200] =	vst v63  }
0x1b0: {  	s12 =	simm.s32 $0x1A200  }
0x1b1: {  	[tilespmem:s12], [sflag:$0x5] =	stream.indirect_vreg.gather [hbm4b:s5+s3], $0x80, v3, vm0, $0xb8;
	[tilespmem:$0x1E200] =	vst v63  }
0x1b2: {  	s12 =	simm.s32 $0x1AA00  }
0x1b3: {  	[tilespmem:s12], [sflag:$0x5] =	stream.indirect_vreg.gather [hbm4b:s6+s3], $0x80, v3, vm0, $0xb8;
	[tilespmem:$0x1E200] =	vst v63  }
0x1b4: {  	v3 =	vld [tilespmem:$0x130];
	_ =	sdelay $0x4  }
0x1b5: {  	v51 =	vshrl.u32 v3, $0x3  }
0x1b6: {  	v4 =	vmul.u32 $0x30, v51  }
0x1b7: {  	v3 =	vand.u32 $0x7, v3  }
0x1b8: {  	v3 =	vor.u32 v3, v4  }
0x1b9: {  	v4 =	vperm.xlane v3, v0;
	_ =	sdelay $0x1  }
0x1ba: {  	v4 =	vadd.s32 v1, v4;
	_ =	sdelay $0x3  }
0x1bb: {  	s12 =	simm.s32 $0x1B200;
	v3 =	vperm.xlane v3, v2  }
0x1bc: {  	[tilespmem:s12], [sflag:$0x5] =	stream.indirect_vreg.gather [hbm4b:s1+s3], $0x80, v4, vm0, $0xb8;
	[tilespmem:$0x1E200] =	vst v63  }
0x1bd: {  	v3 =	vadd.s32 v1, v3;
	s12 =	simm.s32 $0x1BA00  }
0x1be: {  	[tilespmem:s12], [sflag:$0x5] =	stream.indirect_vreg.gather [hbm4b:s5+s3], $0x80, v4, vm0, $0xb8;
	[tilespmem:$0x1E200] =	vst v63  }
0x1bf: {  	s12 =	simm.s32 $0x1C200  }
0x1c0: {  	[tilespmem:s12], [sflag:$0x5] =	stream.indirect_vreg.gather [hbm4b:s6+s3], $0x80, v4, vm0, $0xb8;
	[tilespmem:$0x1E200] =	vst v63  }
0x1c1: {  	s12 =	simm.s32 $0x1CA00  }
0x1c2: {  	[tilespmem:s12], [sflag:$0x5] =	stream.indirect_vreg.gather [hbm4b:s1+s3], $0x80, v3, vm0, $0xb8;
	[tilespmem:$0x1E200] =	vst v63  }
0x1c3: {  	s12 =	simm.s32 $0x1D200  }
0x1c4: {  	[tilespmem:s12], [sflag:$0x5] =	stream.indirect_vreg.gather [hbm4b:s5+s3], $0x80, v3, vm0, $0xb8;
	[tilespmem:$0x1E200] =	vst v63  }
0x1c5: {  	s12 =	simm.s32 $0x1DA00  }
0x1c6: {  	[tilespmem:s12], [sflag:$0x5] =	stream.indirect_vreg.gather [hbm4b:s6+s3], $0x80, v3, vm0, $0xb8;
	[tilespmem:$0x1E200] =	vst v63  }
0x1c7: {  	_ =	swait.ge [sflag:s0], $0x6000  }
0x1c8: {  	[sflag:s0] =	ssyncset.done $0x0  }
0x1c9: {  	s10 =	rddreg [dreg:$0xc];
	[sflag:s0] =	ssyncadd.s32 $0xFFFFA000  }
0x1ca: {  	[hbm4b:s10+s3] =	stream.linear.scatter [tilespmem:s13], [sflag:$0x7], $0x6000, $0x38;
	[tilespmem:$0x1E200] =	vst v63  }
0x1cb: {  	_ =	swait.ge [sflag:s2], $0x6000  }
0x1cc: {  	[sflag:s2] =	ssyncset.done $0x0  }
0x1cd: {  	[sflag:s2] =	ssyncadd.s32 $0xFFFFA000  }
0x1ce: {  	v3 =	vld [tilespmem:$0x140];
	_ =	sdelay $0x4  }
0x1cf: {  	v52 =	vshrl.u32 v3, $0x3  }
0x1d0: {  	v4 =	vmul.u32 $0x30, v52  }
0x1d1: {  	v3 =	vand.u32 $0x7, v3  }
0x1d2: {  	v3 =	vor.u32 v3, v4  }
0x1d3: {  	v4 =	vperm.xlane v3, v0;
	_ =	sdelay $0x1  }
0x1d4: {  	v4 =	vadd.s32 v1, v4;
	_ =	sdelay $0x3  }
0x1d5: {  	v3 =	vperm.xlane v3, v2  }
0x1d6: {  	[tilespmem:s9], [sflag:$0x1] =	stream.indirect_vreg.gather [hbm4b:s1+s3], $0x80, v4, vm0, $0xb8;
	[tilespmem:$0x1E200] =	vst v63  }
0x1d7: {  	v3 =	vadd.s32 v1, v3  }
0x1d8: {  	[tilespmem:s14], [sflag:$0x1] =	stream.indirect_vreg.gather [hbm4b:s5+s3], $0x80, v4, vm0, $0xb8;
	[tilespmem:$0x1E200] =	vst v63  }
0x1d9: {  	_ = 	snop  }
0x1da: {  	[tilespmem:s15], [sflag:$0x1] =	stream.indirect_vreg.gather [hbm4b:s6+s3], $0x80, v4, vm0, $0xb8;
	[tilespmem:$0x1E200] =	vst v63  }
0x1db: {  	_ = 	snop  }
0x1dc: {  	[tilespmem:s16], [sflag:$0x1] =	stream.indirect_vreg.gather [hbm4b:s1+s3], $0x80, v3, vm0, $0xb8;
	[tilespmem:$0x1E200] =	vst v63  }
0x1dd: {  	_ = 	snop  }
0x1de: {  	[tilespmem:s17], [sflag:$0x1] =	stream.indirect_vreg.gather [hbm4b:s5+s3], $0x80, v3, vm0, $0xb8;
	[tilespmem:$0x1E200] =	vst v63  }
0x1df: {  	s12 =	simm.s32 $0x2A00  }
0x1e0: {  	[tilespmem:s12], [sflag:$0x1] =	stream.indirect_vreg.gather [hbm4b:s6+s3], $0x80, v3, vm0, $0xb8;
	[tilespmem:$0x1E200] =	vst v63  }
0x1e1: {  	v3 =	vld [tilespmem:$0x150];
	_ =	sdelay $0x4  }
0x1e2: {  	v53 =	vshrl.u32 v3, $0x3  }
0x1e3: {  	v4 =	vmul.u32 $0x30, v53  }
0x1e4: {  	v3 =	vand.u32 $0x7, v3  }
0x1e5: {  	v3 =	vor.u32 v3, v4  }
0x1e6: {  	v4 =	vperm.xlane v3, v0;
	_ =	sdelay $0x1  }
0x1e7: {  	v4 =	vadd.s32 v1, v4;
	_ =	sdelay $0x3  }
0x1e8: {  	s12 =	simm.s32 $0x3200;
	v3 =	vperm.xlane v3, v2  }
0x1e9: {  	[tilespmem:s12], [sflag:$0x1] =	stream.indirect_vreg.gather [hbm4b:s1+s3], $0x80, v4, vm0, $0xb8;
	[tilespmem:$0x1E200] =	vst v63  }
0x1ea: {  	v3 =	vadd.s32 v1, v3  }
0x1eb: {  	[tilespmem:s18], [sflag:$0x1] =	stream.indirect_vreg.gather [hbm4b:s5+s3], $0x80, v4, vm0, $0xb8;
	[tilespmem:$0x1E200] =	vst v63  }
0x1ec: {  	_ = 	snop  }
0x1ed: {  	[tilespmem:s19], [sflag:$0x1] =	stream.indirect_vreg.gather [hbm4b:s6+s3], $0x80, v4, vm0, $0xb8;
	[tilespmem:$0x1E200] =	vst v63  }
0x1ee: {  	_ = 	snop  }
0x1ef: {  	[tilespmem:s20], [sflag:$0x1] =	stream.indirect_vreg.gather [hbm4b:s1+s3], $0x80, v3, vm0, $0xb8;
	[tilespmem:$0x1E200] =	vst v63  }
0x1f0: {  	_ = 	snop  }
0x1f1: {  	[tilespmem:s21], [sflag:$0x1] =	stream.indirect_vreg.gather [hbm4b:s5+s3], $0x80, v3, vm0, $0xb8;
	[tilespmem:$0x1E200] =	vst v63  }
0x1f2: {  	s12 =	simm.s32 $0x5A00  }
0x1f3: {  	[tilespmem:s12], [sflag:$0x1] =	stream.indirect_vreg.gather [hbm4b:s6+s3], $0x80, v3, vm0, $0xb8;
	[tilespmem:$0x1E200] =	vst v63  }
0x1f4: {  	_ =	swait.ge [sflag:s8], $0x6000  }
0x1f5: {  	[sflag:s8] =	ssyncset.done $0x0  }
0x1f6: {  	s10 =	simm.s32 $0xC200;
	s12 =	rddreg [dreg:$0xd];
	[sflag:s8] =	ssyncadd.s32 $0xFFFFA000  }
0x1f7: {  	[hbm4b:s12+s3] =	stream.linear.scatter [tilespmem:s10], [sflag:$0x8], $0x6000, $0x38;
	[tilespmem:$0x1E200] =	vst v63  }
0x1f8: {  	_ =	swait.ge [sflag:s31], $0x6000  }
0x1f9: {  	[sflag:s31] =	ssyncset.done $0x0  }
0x1fa: {  	[sflag:s31] =	ssyncadd.s32 $0xFFFFA000  }
0x1fb: {  	v3 =	vld [tilespmem:$0x160];
	_ =	sdelay $0x4  }
0x1fc: {  	v54 =	vshrl.u32 v3, $0x3  }
0x1fd: {  	v4 =	vmul.u32 $0x30, v54  }
0x1fe: {  	v3 =	vand.u32 $0x7, v3  }
0x1ff: {  	v3 =	vor.u32 v3, v4  }
0x200: {  	v4 =	vperm.xlane v3, v0;
	_ =	sdelay $0x1  }
0x201: {  	v4 =	vadd.s32 v1, v4;
	_ =	sdelay $0x3  }
0x202: {  	v3 =	vperm.xlane v3, v2  }
0x203: {  	[tilespmem:s13], [sflag:$0x2] =	stream.indirect_vreg.gather [hbm4b:s1+s3], $0x80, v4, vm0, $0xb8;
	[tilespmem:$0x1E200] =	vst v63  }
0x204: {  	s12 =	simm.s32 $0x6A00;
	v3 =	vadd.s32 v1, v3  }
0x205: {  	[tilespmem:s12], [sflag:$0x2] =	stream.indirect_vreg.gather [hbm4b:s5+s3], $0x80, v4, vm0, $0xb8;
	[tilespmem:$0x1E200] =	vst v63  }
0x206: {  	s12 =	simm.s32 $0x7200  }
0x207: {  	[tilespmem:s12], [sflag:$0x2] =	stream.indirect_vreg.gather [hbm4b:s6+s3], $0x80, v4, vm0, $0xb8;
	[tilespmem:$0x1E200] =	vst v63  }
0x208: {  	s12 =	simm.s32 $0x7A00  }
0x209: {  	[tilespmem:s12], [sflag:$0x2] =	stream.indirect_vreg.gather [hbm4b:s1+s3], $0x80, v3, vm0, $0xb8;
	[tilespmem:$0x1E200] =	vst v63  }
0x20a: {  	s12 =	simm.s32 $0x8200  }
0x20b: {  	[tilespmem:s12], [sflag:$0x2] =	stream.indirect_vreg.gather [hbm4b:s5+s3], $0x80, v3, vm0, $0xb8;
	[tilespmem:$0x1E200] =	vst v63  }
0x20c: {  	s12 =	simm.s32 $0x8A00  }
0x20d: {  	[tilespmem:s12], [sflag:$0x2] =	stream.indirect_vreg.gather [hbm4b:s6+s3], $0x80, v3, vm0, $0xb8;
	[tilespmem:$0x1E200] =	vst v63  }
0x20e: {  	v3 =	vld [tilespmem:$0x170];
	_ =	sdelay $0x4  }
0x20f: {  	v55 =	vshrl.u32 v3, $0x3  }
0x210: {  	v4 =	vmul.u32 $0x30, v55  }
0x211: {  	v3 =	vand.u32 $0x7, v3  }
0x212: {  	v3 =	vor.u32 v3, v4  }
0x213: {  	v4 =	vperm.xlane v3, v0;
	_ =	sdelay $0x1  }
0x214: {  	v4 =	vadd.s32 v1, v4;
	_ =	sdelay $0x3  }
0x215: {  	s12 =	simm.s32 $0x9200;
	v3 =	vperm.xlane v3, v2  }
0x216: {  	[tilespmem:s12], [sflag:$0x2] =	stream.indirect_vreg.gather [hbm4b:s1+s3], $0x80, v4, vm0, $0xb8;
	[tilespmem:$0x1E200] =	vst v63  }
0x217: {  	v3 =	vadd.s32 v1, v3;
	s12 =	simm.s32 $0x9A00  }
0x218: {  	[tilespmem:s12], [sflag:$0x2] =	stream.indirect_vreg.gather [hbm4b:s5+s3], $0x80, v4, vm0, $0xb8;
	[tilespmem:$0x1E200] =	vst v63  }
0x219: {  	s12 =	simm.s32 $0xA200  }
0x21a: {  	[tilespmem:s12], [sflag:$0x2] =	stream.indirect_vreg.gather [hbm4b:s6+s3], $0x80, v4, vm0, $0xb8;
	[tilespmem:$0x1E200] =	vst v63  }
0x21b: {  	s12 =	simm.s32 $0xAA00  }
0x21c: {  	[tilespmem:s12], [sflag:$0x2] =	stream.indirect_vreg.gather [hbm4b:s1+s3], $0x80, v3, vm0, $0xb8;
	[tilespmem:$0x1E200] =	vst v63  }
0x21d: {  	s12 =	simm.s32 $0xB200  }
0x21e: {  	[tilespmem:s12], [sflag:$0x2] =	stream.indirect_vreg.gather [hbm4b:s5+s3], $0x80, v3, vm0, $0xb8;
	[tilespmem:$0x1E200] =	vst v63  }
0x21f: {  	s12 =	simm.s32 $0xBA00  }
0x220: {  	[tilespmem:s12], [sflag:$0x2] =	stream.indirect_vreg.gather [hbm4b:s6+s3], $0x80, v3, vm0, $0xb8;
	[tilespmem:$0x1E200] =	vst v63  }
0x221: {  	_ =	swait.ge [sflag:s24], $0x6000  }
0x222: {  	[sflag:s24] =	ssyncset.done $0x0  }
0x223: {  	s12 =	rddreg [dreg:$0xe];
	[sflag:s24] =	ssyncadd.s32 $0xFFFFA000  }
0x224: {  	[hbm4b:s12+s3] =	stream.linear.scatter [tilespmem:s4], [sflag:$0x9], $0x6000, $0x38;
	[tilespmem:$0x1E200] =	vst v63  }
0x225: {  	_ =	swait.ge [sflag:s28], $0x6000  }
0x226: {  	[sflag:s28] =	ssyncset.done $0x0  }
0x227: {  	[sflag:s28] =	ssyncadd.s32 $0xFFFFA000  }
0x228: {  	v3 =	vld [tilespmem:$0x180];
	_ =	sdelay $0x4  }
0x229: {  	v56 =	vshrl.u32 v3, $0x3  }
0x22a: {  	v4 =	vmul.u32 $0x30, v56  }
0x22b: {  	v3 =	vand.u32 $0x7, v3  }
0x22c: {  	v3 =	vor.u32 v3, v4  }
0x22d: {  	v4 =	vperm.xlane v3, v0;
	_ =	sdelay $0x1  }
0x22e: {  	v4 =	vadd.s32 v1, v4;
	_ =	sdelay $0x3  }
0x22f: {  	v3 =	vperm.xlane v3, v2  }
0x230: {  	[tilespmem:s10], [sflag:$0x3] =	stream.indirect_vreg.gather [hbm4b:s1+s3], $0x80, v4, vm0, $0xb8;
	[tilespmem:$0x1E200] =	vst v63  }
0x231: {  	s12 =	simm.s32 $0xCA00;
	v3 =	vadd.s32 v1, v3  }
0x232: {  	[tilespmem:s12], [sflag:$0x3] =	stream.indirect_vreg.gather [hbm4b:s5+s3], $0x80, v4, vm0, $0xb8;
	[tilespmem:$0x1E200] =	vst v63  }
0x233: {  	s12 =	simm.s32 $0xD200  }
0x234: {  	[tilespmem:s12], [sflag:$0x3] =	stream.indirect_vreg.gather [hbm4b:s6+s3], $0x80, v4, vm0, $0xb8;
	[tilespmem:$0x1E200] =	vst v63  }
0x235: {  	s12 =	simm.s32 $0xDA00  }
0x236: {  	[tilespmem:s12], [sflag:$0x3] =	stream.indirect_vreg.gather [hbm4b:s1+s3], $0x80, v3, vm0, $0xb8;
	[tilespmem:$0x1E200] =	vst v63  }
0x237: {  	s12 =	simm.s32 $0xE200  }
0x238: {  	[tilespmem:s12], [sflag:$0x3] =	stream.indirect_vreg.gather [hbm4b:s5+s3], $0x80, v3, vm0, $0xb8;
	[tilespmem:$0x1E200] =	vst v63  }
0x239: {  	s12 =	simm.s32 $0xEA00  }
0x23a: {  	[tilespmem:s12], [sflag:$0x3] =	stream.indirect_vreg.gather [hbm4b:s6+s3], $0x80, v3, vm0, $0xb8;
	[tilespmem:$0x1E200] =	vst v63  }
0x23b: {  	v3 =	vld [tilespmem:$0x190];
	_ =	sdelay $0x4  }
0x23c: {  	v57 =	vshrl.u32 v3, $0x3  }
0x23d: {  	v4 =	vmul.u32 $0x30, v57  }
0x23e: {  	v3 =	vand.u32 $0x7, v3  }
0x23f: {  	v3 =	vor.u32 v3, v4  }
0x240: {  	v4 =	vperm.xlane v3, v0;
	_ =	sdelay $0x1  }
0x241: {  	v4 =	vadd.s32 v1, v4;
	_ =	sdelay $0x3  }
0x242: {  	s12 =	simm.s32 $0xF200;
	v3 =	vperm.xlane v3, v2  }
0x243: {  	[tilespmem:s12], [sflag:$0x3] =	stream.indirect_vreg.gather [hbm4b:s1+s3], $0x80, v4, vm0, $0xb8;
	[tilespmem:$0x1E200] =	vst v63  }
0x244: {  	v3 =	vadd.s32 v1, v3;
	s12 =	simm.s32 $0xFA00  }
0x245: {  	[tilespmem:s12], [sflag:$0x3] =	stream.indirect_vreg.gather [hbm4b:s5+s3], $0x80, v4, vm0, $0xb8;
	[tilespmem:$0x1E200] =	vst v63  }
0x246: {  	s12 =	simm.s32 $0x10200  }
0x247: {  	[tilespmem:s12], [sflag:$0x3] =	stream.indirect_vreg.gather [hbm4b:s6+s3], $0x80, v4, vm0, $0xb8;
	[tilespmem:$0x1E200] =	vst v63  }
0x248: {  	s12 =	simm.s32 $0x10A00  }
0x249: {  	[tilespmem:s12], [sflag:$0x3] =	stream.indirect_vreg.gather [hbm4b:s1+s3], $0x80, v3, vm0, $0xb8;
	[tilespmem:$0x1E200] =	vst v63  }
0x24a: {  	s12 =	simm.s32 $0x11200  }
0x24b: {  	[tilespmem:s12], [sflag:$0x3] =	stream.indirect_vreg.gather [hbm4b:s5+s3], $0x80, v3, vm0, $0xb8;
	[tilespmem:$0x1E200] =	vst v63  }
0x24c: {  	s12 =	simm.s32 $0x11A00  }
0x24d: {  	[tilespmem:s12], [sflag:$0x3] =	stream.indirect_vreg.gather [hbm4b:s6+s3], $0x80, v3, vm0, $0xb8;
	[tilespmem:$0x1E200] =	vst v63  }
0x24e: {  	_ =	swait.ge [sflag:s29], $0x6000  }
0x24f: {  	[sflag:s29] =	ssyncset.done $0x0  }
0x250: {  	s12 =	rddreg [dreg:$0xf];
	[sflag:s29] =	ssyncadd.s32 $0xFFFFA000  }
0x251: {  	[hbm4b:s12+s3] =	stream.linear.scatter [tilespmem:s22], [sflag:$0xA], $0x6000, $0x38;
	[tilespmem:$0x1E200] =	vst v63  }
0x252: {  	_ =	swait.ge [sflag:s30], $0x6000  }
0x253: {  	[sflag:s30] =	ssyncset.done $0x0  }
0x254: {  	[sflag:s30] =	ssyncadd.s32 $0xFFFFA000  }
0x255: {  	v3 =	vld [tilespmem:$0x1A0];
	_ =	sdelay $0x4  }
0x256: {  	v58 =	vshrl.u32 v3, $0x3  }
0x257: {  	v4 =	vmul.u32 $0x30, v58  }
0x258: {  	v3 =	vand.u32 $0x7, v3  }
0x259: {  	v3 =	vor.u32 v3, v4  }
0x25a: {  	v4 =	vperm.xlane v3, v0;
	_ =	sdelay $0x1  }
0x25b: {  	v4 =	vadd.s32 v1, v4;
	_ =	sdelay $0x3  }
0x25c: {  	v3 =	vperm.xlane v3, v2  }
0x25d: {  	[tilespmem:s4], [sflag:$0x4] =	stream.indirect_vreg.gather [hbm4b:s1+s3], $0x80, v4, vm0, $0xb8;
	[tilespmem:$0x1E200] =	vst v63  }
0x25e: {  	s12 =	simm.s32 $0x12A00;
	v3 =	vadd.s32 v1, v3  }
0x25f: {  	[tilespmem:s12], [sflag:$0x4] =	stream.indirect_vreg.gather [hbm4b:s5+s3], $0x80, v4, vm0, $0xb8;
	[tilespmem:$0x1E200] =	vst v63  }
0x260: {  	s12 =	simm.s32 $0x13200  }
0x261: {  	[tilespmem:s12], [sflag:$0x4] =	stream.indirect_vreg.gather [hbm4b:s6+s3], $0x80, v4, vm0, $0xb8;
	[tilespmem:$0x1E200] =	vst v63  }
0x262: {  	s12 =	simm.s32 $0x13A00  }
0x263: {  	[tilespmem:s12], [sflag:$0x4] =	stream.indirect_vreg.gather [hbm4b:s1+s3], $0x80, v3, vm0, $0xb8;
	[tilespmem:$0x1E200] =	vst v63  }
0x264: {  	s12 =	simm.s32 $0x14200  }
0x265: {  	[tilespmem:s12], [sflag:$0x4] =	stream.indirect_vreg.gather [hbm4b:s5+s3], $0x80, v3, vm0, $0xb8;
	[tilespmem:$0x1E200] =	vst v63  }
0x266: {  	s12 =	simm.s32 $0x14A00  }
0x267: {  	[tilespmem:s12], [sflag:$0x4] =	stream.indirect_vreg.gather [hbm4b:s6+s3], $0x80, v3, vm0, $0xb8;
	[tilespmem:$0x1E200] =	vst v63  }
0x268: {  	v3 =	vld [tilespmem:$0x1B0];
	_ =	sdelay $0x4  }
0x269: {  	v59 =	vshrl.u32 v3, $0x3  }
0x26a: {  	v4 =	vmul.u32 $0x30, v59  }
0x26b: {  	v3 =	vand.u32 $0x7, v3  }
0x26c: {  	v3 =	vor.u32 v3, v4  }
0x26d: {  	v4 =	vperm.xlane v3, v0;
	_ =	sdelay $0x1  }
0x26e: {  	v4 =	vadd.s32 v1, v4;
	_ =	sdelay $0x3  }
0x26f: {  	s12 =	simm.s32 $0x15200;
	v3 =	vperm.xlane v3, v2  }
0x270: {  	[tilespmem:s12], [sflag:$0x4] =	stream.indirect_vreg.gather [hbm4b:s1+s3], $0x80, v4, vm0, $0xb8;
	[tilespmem:$0x1E200] =	vst v63  }
0x271: {  	v3 =	vadd.s32 v1, v3;
	s12 =	simm.s32 $0x15A00  }
0x272: {  	[tilespmem:s12], [sflag:$0x4] =	stream.indirect_vreg.gather [hbm4b:s5+s3], $0x80, v4, vm0, $0xb8;
	[tilespmem:$0x1E200] =	vst v63  }
0x273: {  	s12 =	simm.s32 $0x16200  }
0x274: {  	[tilespmem:s12], [sflag:$0x4] =	stream.indirect_vreg.gather [hbm4b:s6+s3], $0x80, v4, vm0, $0xb8;
	[tilespmem:$0x1E200] =	vst v63  }
0x275: {  	s12 =	simm.s32 $0x16A00  }
0x276: {  	[tilespmem:s12], [sflag:$0x4] =	stream.indirect_vreg.gather [hbm4b:s1+s3], $0x80, v3, vm0, $0xb8;
	[tilespmem:$0x1E200] =	vst v63  }
0x277: {  	s12 =	simm.s32 $0x17200  }
0x278: {  	[tilespmem:s12], [sflag:$0x4] =	stream.indirect_vreg.gather [hbm4b:s5+s3], $0x80, v3, vm0, $0xb8;
	[tilespmem:$0x1E200] =	vst v63  }
0x279: {  	s12 =	simm.s32 $0x17A00  }
0x27a: {  	[tilespmem:s12], [sflag:$0x4] =	stream.indirect_vreg.gather [hbm4b:s6+s3], $0x80, v3, vm0, $0xb8;
	[tilespmem:$0x1E200] =	vst v63  }
0x27b: {  	_ =	swait.ge [sflag:s25], $0x6000  }
0x27c: {  	[sflag:s25] =	ssyncset.done $0x0  }
0x27d: {  	s12 =	rddreg [dreg:$0x10];
	[sflag:s25] =	ssyncadd.s32 $0xFFFFA000  }
0x27e: {  	[hbm4b:s12+s3] =	stream.linear.scatter [tilespmem:s9], [sflag:$0x6], $0x6000, $0x38;
	[tilespmem:$0x1E200] =	vst v63  }
0x27f: {  	_ =	swait.ge [sflag:s11], $0x6000  }
0x280: {  	[sflag:s11] =	ssyncset.done $0x0  }
0x281: {  	[sflag:s11] =	ssyncadd.s32 $0xFFFFA000  }
0x282: {  	v3 =	vld [tilespmem:$0x1C0];
	_ =	sdelay $0x4  }
0x283: {  	v60 =	vshrl.u32 v3, $0x3  }
0x284: {  	v4 =	vmul.u32 $0x30, v60  }
0x285: {  	v3 =	vand.u32 $0x7, v3  }
0x286: {  	v3 =	vor.u32 v3, v4  }
0x287: {  	v4 =	vperm.xlane v3, v0;
	_ =	sdelay $0x1  }
0x288: {  	v4 =	vadd.s32 v1, v4;
	_ =	sdelay $0x3  }
0x289: {  	v3 =	vperm.xlane v3, v2  }
0x28a: {  	[tilespmem:s22], [sflag:$0x5] =	stream.indirect_vreg.gather [hbm4b:s1+s3], $0x80, v4, vm0, $0xb8;
	[tilespmem:$0x1E200] =	vst v63  }
0x28b: {  	s12 =	simm.s32 $0x18A00;
	v3 =	vadd.s32 v1, v3  }
0x28c: {  	[tilespmem:s12], [sflag:$0x5] =	stream.indirect_vreg.gather [hbm4b:s5+s3], $0x80, v4, vm0, $0xb8;
	[tilespmem:$0x1E200] =	vst v63  }
0x28d: {  	_ = 	snop  }
0x28e: {  	[tilespmem:s23], [sflag:$0x5] =	stream.indirect_vreg.gather [hbm4b:s6+s3], $0x80, v4, vm0, $0xb8;
	[tilespmem:$0x1E200] =	vst v63  }
0x28f: {  	_ = 	snop  }
0x290: {  	[tilespmem:s26], [sflag:$0x5] =	stream.indirect_vreg.gather [hbm4b:s1+s3], $0x80, v3, vm0, $0xb8;
	[tilespmem:$0x1E200] =	vst v63  }
0x291: {  	s26 =	simm.s32 $0x1A200  }
0x292: {  	[tilespmem:s26], [sflag:$0x5] =	stream.indirect_vreg.gather [hbm4b:s5+s3], $0x80, v3, vm0, $0xb8;
	[tilespmem:$0x1E200] =	vst v63  }
0x293: {  	s23 =	simm.s32 $0x1AA00  }
0x294: {  	[tilespmem:s23], [sflag:$0x5] =	stream.indirect_vreg.gather [hbm4b:s6+s3], $0x80, v3, vm0, $0xb8;
	[tilespmem:$0x1E200] =	vst v63  }
0x295: {  	v3 =	vld [tilespmem:$0x1D0];
	_ =	sdelay $0x4  }
0x296: {  	v61 =	vshrl.u32 v3, $0x3  }
0x297: {  	v4 =	vmul.u32 $0x30, v61  }
0x298: {  	v3 =	vand.u32 $0x7, v3  }
0x299: {  	v3 =	vor.u32 v3, v4  }
0x29a: {  	v4 =	vperm.xlane v3, v0;
	_ =	sdelay $0x1  }
0x29b: {  	v4 =	vadd.s32 v1, v4;
	_ =	sdelay $0x3  }
0x29c: {  	s26 =	simm.s32 $0x1B200;
	v3 =	vperm.xlane v3, v2  }
0x29d: {  	[tilespmem:s26], [sflag:$0x5] =	stream.indirect_vreg.gather [hbm4b:s1+s3], $0x80, v4, vm0, $0xb8;
	[tilespmem:$0x1E200] =	vst v63  }
0x29e: {  	s23 =	simm.s32 $0x1BA00;
	v3 =	vadd.s32 v1, v3  }
0x29f: {  	[tilespmem:s23], [sflag:$0x5] =	stream.indirect_vreg.gather [hbm4b:s5+s3], $0x80, v4, vm0, $0xb8;
	[tilespmem:$0x1E200] =	vst v63  }
0x2a0: {  	s26 =	simm.s32 $0x1C200  }
0x2a1: {  	[tilespmem:s26], [sflag:$0x5] =	stream.indirect_vreg.gather [hbm4b:s6+s3], $0x80, v4, vm0, $0xb8;
	[tilespmem:$0x1E200] =	vst v63  }
0x2a2: {  	s23 =	simm.s32 $0x1CA00  }
0x2a3: {  	[tilespmem:s23], [sflag:$0x5] =	stream.indirect_vreg.gather [hbm4b:s1+s3], $0x80, v3, vm0, $0xb8;
	[tilespmem:$0x1E200] =	vst v63  }
0x2a4: {  	s26 =	simm.s32 $0x1D200  }
0x2a5: {  	[tilespmem:s26], [sflag:$0x5] =	stream.indirect_vreg.gather [hbm4b:s5+s3], $0x80, v3, vm0, $0xb8;
	[tilespmem:$0x1E200] =	vst v63  }
0x2a6: {  	s23 =	simm.s32 $0x1DA00  }
0x2a7: {  	[tilespmem:s23], [sflag:$0x5] =	stream.indirect_vreg.gather [hbm4b:s6+s3], $0x80, v3, vm0, $0xb8;
	[tilespmem:$0x1E200] =	vst v63  }
0x2a8: {  	_ =	swait.ge [sflag:s0], $0x6000  }
0x2a9: {  	[sflag:s0] =	ssyncset.done $0x0  }
0x2aa: {  	s26 =	rddreg [dreg:$0x11];
	[sflag:s0] =	ssyncadd.s32 $0xFFFFA000  }
0x2ab: {  	[hbm4b:s26+s3] =	stream.linear.scatter [tilespmem:s13], [sflag:$0x7], $0x6000, $0x38;
	[tilespmem:$0x1E200] =	vst v63  }
0x2ac: {  	_ =	swait.ge [sflag:s2], $0x6000  }
0x2ad: {  	[sflag:s2] =	ssyncset.done $0x0  }
0x2ae: {  	[sflag:s2] =	ssyncadd.s32 $0xFFFFA000  }
0x2af: {  	v3 =	vld [tilespmem:$0x1E0];
	_ =	sdelay $0x4  }
0x2b0: {  	v62 =	vshrl.u32 v3, $0x3  }
0x2b1: {  	v4 =	vmul.u32 $0x30, v62  }
0x2b2: {  	v3 =	vand.u32 $0x7, v3  }
0x2b3: {  	v3 =	vor.u32 v3, v4  }
0x2b4: {  	v4 =	vperm.xlane v3, v0;
	_ =	sdelay $0x1  }
0x2b5: {  	v4 =	vadd.s32 v1, v4;
	_ =	sdelay $0x3  }
0x2b6: {  	v3 =	vperm.xlane v3, v2  }
0x2b7: {  	[tilespmem:s9], [sflag:$0x1] =	stream.indirect_vreg.gather [hbm4b:s1+s3], $0x80, v4, vm0, $0xb8;
	[tilespmem:$0x1E200] =	vst v63  }
0x2b8: {  	s14 =	simm.s32 $0xA00;
	v3 =	vadd.s32 v1, v3  }
0x2b9: {  	[tilespmem:s14], [sflag:$0x1] =	stream.indirect_vreg.gather [hbm4b:s5+s3], $0x80, v4, vm0, $0xb8;
	[tilespmem:$0x1E200] =	vst v63  }
0x2ba: {  	s15 =	simm.s32 $0x1200  }
0x2bb: {  	[tilespmem:s15], [sflag:$0x1] =	stream.indirect_vreg.gather [hbm4b:s6+s3], $0x80, v4, vm0, $0xb8;
	[tilespmem:$0x1E200] =	vst v63  }
0x2bc: {  	s16 =	simm.s32 $0x1A00  }
0x2bd: {  	[tilespmem:s16], [sflag:$0x1] =	stream.indirect_vreg.gather [hbm4b:s1+s3], $0x80, v3, vm0, $0xb8;
	[tilespmem:$0x1E200] =	vst v63  }
0x2be: {  	s17 =	simm.s32 $0x2200  }
0x2bf: {  	[tilespmem:s17], [sflag:$0x1] =	stream.indirect_vreg.gather [hbm4b:s5+s3], $0x80, v3, vm0, $0xb8;
	[tilespmem:$0x1E200] =	vst v63  }
0x2c0: {  	s16 =	simm.s32 $0x2A00  }
0x2c1: {  	[tilespmem:s16], [sflag:$0x1] =	stream.indirect_vreg.gather [hbm4b:s6+s3], $0x80, v3, vm0, $0xb8;
	[tilespmem:$0x1E200] =	vst v63  }
0x2c2: {  	v3 =	vld [tilespmem:$0x1F0];
	_ =	sdelay $0x4  }
0x2c3: {  	v63 =	vshrl.u32 v3, $0x3  }
0x2c4: {  	v4 =	vmul.u32 $0x30, v63  }
0x2c5: {  	v3 =	vand.u32 $0x7, v3  }
0x2c6: {  	v3 =	vor.u32 v3, v4  }
0x2c7: {  	v4 =	vperm.xlane v3, v0;
	_ =	sdelay $0x1  }
0x2c8: {  	v4 =	vadd.s32 v1, v4;
	_ =	sdelay $0x3  }
0x2c9: {  	s17 =	simm.s32 $0x3200;
	v3 =	vperm.xlane v3, v2  }
0x2ca: {  	[tilespmem:s17], [sflag:$0x1] =	stream.indirect_vreg.gather [hbm4b:s1+s3], $0x80, v4, vm0, $0xb8;
	[tilespmem:$0x1E200] =	vst v63  }
0x2cb: {  	s18 =	simm.s32 $0x3A00;
	v3 =	vadd.s32 v1, v3  }
0x2cc: {  	[tilespmem:s18], [sflag:$0x1] =	stream.indirect_vreg.gather [hbm4b:s5+s3], $0x80, v4, vm0, $0xb8;
	[tilespmem:$0x1E200] =	vst v63  }
0x2cd: {  	s19 =	simm.s32 $0x4200  }
0x2ce: {  	[tilespmem:s19], [sflag:$0x1] =	stream.indirect_vreg.gather [hbm4b:s6+s3], $0x80, v4, vm0, $0xb8;
	[tilespmem:$0x1E200] =	vst v63  }
0x2cf: {  	s20 =	simm.s32 $0x4A00  }
0x2d0: {  	[tilespmem:s20], [sflag:$0x1] =	stream.indirect_vreg.gather [hbm4b:s1+s3], $0x80, v3, vm0, $0xb8;
	[tilespmem:$0x1E200] =	vst v63  }
0x2d1: {  	s21 =	simm.s32 $0x5200  }
0x2d2: {  	[tilespmem:s21], [sflag:$0x1] =	stream.indirect_vreg.gather [hbm4b:s5+s3], $0x80, v3, vm0, $0xb8;
	[tilespmem:$0x1E200] =	vst v63  }
0x2d3: {  	s19 =	simm.s32 $0x5A00  }
0x2d4: {  	[tilespmem:s19], [sflag:$0x1] =	stream.indirect_vreg.gather [hbm4b:s6+s3], $0x80, v3, vm0, $0xb8;
	[tilespmem:$0x1E200] =	vst v63  }
0x2d5: {  	_ =	swait.ge [sflag:s8], $0x6000  }
0x2d6: {  	[sflag:s8] =	ssyncset.done $0x0  }
0x2d7: {  	s10 =	simm.s32 $0xC200;
	s20 =	rddreg [dreg:$0x12];
	[sflag:s8] =	ssyncadd.s32 $0xFFFFA000  }
0x2d8: {  	[hbm4b:s20+s3] =	stream.linear.scatter [tilespmem:s10], [sflag:$0x8], $0x6000, $0x38;
	[tilespmem:$0x1E200] =	vst v63  }
0x2d9: {  	_ =	swait.ge [sflag:s24], $0x6000  }
0x2da: {  	[sflag:s24] =	ssyncset.done $0x0  }
0x2db: {  	s21 =	rddreg [dreg:$0x13];
	[sflag:s24] =	ssyncadd.s32 $0xFFFFA000  }
0x2dc: {  	[hbm4b:s21+s3] =	stream.linear.scatter [tilespmem:s4], [sflag:$0x9], $0x6000, $0x38;
	[tilespmem:$0x1E200] =	vst v63  }
0x2dd: {  	_ =	swait.ge [sflag:s29], $0x6000  }
0x2de: {  	[sflag:s29] =	ssyncset.done $0x0  }
0x2df: {  	s23 =	rddreg [dreg:$0x14];
	[sflag:s29] =	ssyncadd.s32 $0xFFFFA000  }
0x2e0: {  	[hbm4b:s23+s3] =	stream.linear.scatter [tilespmem:s22], [sflag:$0xA], $0x6000, $0x38;
	[tilespmem:$0x1E200] =	vst v63  }
0x2e1: {  	_ =	swait.ge [sflag:s25], $0x6000  }
0x2e2: {  	[sflag:s25] =	ssyncset.done $0x0  }
0x2e3: {  	s26 =	rddreg [dreg:$0x15];
	[sflag:s25] =	ssyncadd.s32 $0xFFFFA000  }
0x2e4: {  	[hbm4b:s26+s3] =	stream.linear.scatter [tilespmem:s9], [sflag:$0x6], $0x6000, $0x38;
	[tilespmem:$0x1E200] =	vst v63  }
0x2e5: {  	_ =	swait.ge [sflag:s2], $0x6000  }
0x2e6: {  	[sflag:s2] =	ssyncset.done $0x0  }
0x2e7: {  	[sflag:s2] =	ssyncadd.s32 $0xFFFFA000  }
0x2e8: {  	_ =	swait.ge [sflag:s31], $0x6000  }
0x2e9: {  	[sflag:s31] =	ssyncset.done $0x0  }
0x2ea: {  	[sflag:s31] =	ssyncadd.s32 $0xFFFFA000  }
0x2eb: {  	_ =	swait.ge [sflag:s28], $0x6000  }
0x2ec: {  	[sflag:s28] =	ssyncset.done $0x0  }
0x2ed: {  	[sflag:s28] =	ssyncadd.s32 $0xFFFFA000  }
0x2ee: {  	p0 =	sne.s32 s7, $0x1;
	_ =	swait.ge [sflag:s30], $0x6000  }
.Ltmp0:
0x2ef: {  	[sflag:s30] =	ssyncset.done $0x0;
	(pc) =	sbr.rel @p0 .LBB2_1-.Ltmp0, $4  }
0x2f0: {  	[sflag:s30] =	ssyncadd.s32 $0xFFFFA000  }
0x2f1: {  	_ =	swait.ge [sflag:s11], $0x6000  }
0x2f2: {  	[sflag:s11] =	ssyncset.done $0x0  }
0x2f3: {  	s7 =	sadd.s32 $0xFFFFFFFF, s7;
	[sflag:s11] =	ssyncadd.s32 $0xFFFFA000  }
0x2f4: {  	_ =	sfence.sel $0x180000  }
0x2f5: {  	[bflag:$0x0] =	sbarrier.arrive $0xFFFF  }
0x2f6: {  	_ =	strace $0x90000047  }
0x2f7: {  	s0 =	stileid.u32;
	[bflag:$0x2] =	sbarrier.arrive $0xFFFF  }
0x2f8: {  	p0 =	sne.s32 s0, $0x0;
	s0 =	rddreg [dreg:$0x4]  }
0x2f9: {  	s0 =	sadd.s32 @!p0 $0x100000, s0  }
0x2fa: {  	[sflag:s0] =	ssyncadd.tile.s32 @!p0 $0x1;
	_ =	shalt  }
.Lfunc_end2:
_tile_overlayer_lowered:
.L_overlay_start_2:
0x2fb: {  	(tag) =	ssettag $0x2  }
0x2fc: {  	s0 =	rddreg [dreg:$0x0];
	s2 =	stileid.u32  }
0x2fd: {  	s1 =	rddreg [dreg:$0x1];
	p0 =	sne.s32 s2, $0x0  }
0x2fe: {  	s3 =	rddreg [dreg:$0x2];
	[bflag:$0x3] =	sbarrier.arrive $0xFFFF;
	s2 =	simm.s32 @!p0 $0x1C0B  }
0x2ff: {  	[timem:s3], [sflag:s2] =	dma.local @!p0 [hbm:s0], s1  }
0x300: {  	s0 =	simm.s32 @!p0 $0xB  }
0x301: {  	_ =	swait.ge @!p0 [sflag:s0], s1  }
0x302: {  	s1 =	ssub.s32 @!p0 $0x0, s1;
	[sflag:s0] =	ssyncset.done @!p0 $0x0  }
0x303: {  	[sflag:s0] =	ssyncadd.s32 @!p0 s1  }
0x304: {  	[bflag:$0x3] =	sbarrier.arrive $0xFFFF  }
0x305: {  	_ =	shalt  }

</sc_bundles>
